<compile_context>
chip_gen: v7x
topology: tpu7x:2x2x1
jax: 0.10.2.dev20260603
libtpu: 0.0.44.dev20260713+nightly
codegen_flags: <defaults>
</compile_context>

<pallas_src>
import functools

import jax
import jax.numpy as jnp
from jax import lax
from jax.experimental import pallas as pl
from jax.experimental.pallas import tpu as pltpu
from jax.experimental.pallas import tpu_sc as plsc

N = 10000
D = 128
E = 320000
EPS = 1e-5

NC = 2
NS = 16
NW = NC * NS

CH = 128
EW = 80
EW0 = 148
EW1 = 12
BB = 4
E_PAD = NW * EW * CH
N_ACC = 10008
ZR = 1000


_mesh = functools.partial(
    plsc.VectorSubcoreMesh, core_axis_name="c", subcore_axis_name="s",
    num_cores=NC, num_subcores=NS)


def _worker_id():
    c = lax.axis_index("c")
    s = lax.axis_index("s")
    return c, s, c * NS + s


def _zero_acc(zeros_hbm, acc_sh, s):
    @pl.when(s < 10)
    def _():
        pltpu.sync_copy(zeros_hbm, acc_sh.at[pl.ds(s * ZR, ZR)])


def _copy_out(acc_sh, out_hbm, c, s):
    @pl.when(s < 10)
    def _():
        pltpu.sync_copy(acc_sh.at[pl.ds(s * ZR, ZR)],
                        out_hbm.at[c, pl.ds(s * ZR, ZR)])


def _sc_degrees_body(dst_hbm, zeros_hbm, ones_hbm, out_hbm,
                     idx_v, ones_v, sem, acc_sh):
    c, s, w = _worker_id()
    _zero_acc(zeros_hbm, acc_sh, s)
    pltpu.sync_copy(ones_hbm, ones_v)
    pltpu.sync_copy(dst_hbm.at[pl.ds(w * EW, EW)], idx_v)
    plsc.subcore_barrier()

    def step(j, carry):
        pltpu.sync_copy(ones_v, acc_sh.at[idx_v.at[j]], add=True)
        return carry

    lax.fori_loop(0, EW, step, 0)
    plsc.subcore_barrier()
    _copy_out(acc_sh, out_hbm, c, s)


def _sc_segment_sum_body(z2_hbm, sd_hbm, zeros_hbm, out_hbm,
                         sd_v, r0, r1, r2, g0, g1, g2, s0, s1, s2, acc_sh):
    c, s, w = _worker_id()
    _zero_acc(zeros_hbm, acc_sh, s)
    plsc.subcore_barrier()

    bufs = (r0, r1, r2)
    gsems = (g0, g1, g2)
    ssems = (s0, s1, s2)

    def gather(k, i):
        pltpu.async_copy(z2_hbm.at[sd_v.at[2 * k]], bufs[i], gsems[i])

    def wait_g(i):
        pltpu.make_async_copy(z2_hbm.at[sd_v.at[0]], bufs[i], gsems[i]).wait()

    def scatter(k, i):
        pltpu.async_copy(bufs[i], acc_sh.at[sd_v.at[2 * k + 1]], ssems[i],
                         add=True)

    def wait_s(i):
        pltpu.make_async_copy(bufs[i], acc_sh.at[sd_v.at[1]], ssems[i]).wait()

    base_w = jnp.where(c == 0, s * EW0, NS * EW0 + s * EW1)
    nb = jnp.where(c == 0, EW0 // BB, EW1 // BB)

    def block(bi, carry):
        pltpu.sync_copy(sd_hbm.at[pl.ds((base_w + bi * BB) * 2, 2 * BB)], sd_v)
        gather(0, 0)
        gather(1, 1)
        wait_g(0)
        scatter(0, 0)
        gather(2, 2)
        wait_g(1)
        scatter(1, 1)
        wait_s(0)
        gather(3, 0)
        wait_g(2)
        scatter(2, 2)
        wait_g(0)
        scatter(3, 0)
        wait_s(1)
        wait_s(2)
        wait_s(0)
        return carry

    lax.fori_loop(0, nb, block, 0)
    plsc.subcore_barrier()
    _copy_out(acc_sh, out_hbm, c, s)


def _deg_norm(deg_parts):
    deg = jnp.sum(deg_parts[0] + deg_parts[1], axis=-1) * (1.0 / 128.0)
    deg = jnp.maximum(deg, 1.0)
    return lax.rsqrt(deg)


def _tc_matmul_body(x_ref, w_ref, out_ref):
    out_ref[...] = jnp.dot(x_ref[...], w_ref[...],
                           precision=lax.Precision.HIGHEST,
                           preferred_element_type=jnp.float32)


def _tc_scale_body(z_ref, degp_ref, out_ref):
    norm = _deg_norm(degp_ref[...])
    out_ref[...] = z_ref[...] * norm[:, None]


def _tc_epilogue_body(aggp_ref, degp_ref, b_ref, gamma_ref, beta_ref, x_ref,
                      out_ref):
    norm = _deg_norm(degp_ref[...])
    h = (aggp_ref[0] + aggp_ref[1] + b_ref[...]) * norm[:, None]
    mean = jnp.mean(h, axis=0, keepdims=True)
    var = jnp.mean((h - mean) ** 2, axis=0, keepdims=True)
    h = (h - mean) * lax.rsqrt(var + EPS) * gamma_ref[...] + beta_ref[...]
    out_ref[...] = x_ref[...] + jnp.maximum(h, 0.0)


def kernel(features, edge_index, W, b, gamma, beta):
    src = edge_index[0]
    dst = edge_index[1]
    pad = E_PAD - E
    src_p = jnp.concatenate([src, jnp.zeros((pad,), jnp.int32)]).reshape(-1, CH)
    dst_p = jnp.concatenate([dst, jnp.full((pad,), N, jnp.int32)]).reshape(-1, CH)
    sd = jnp.stack([src_p, dst_p], axis=1).reshape(-1, CH)

    ones_rows = jnp.ones((CH, D), jnp.float32)
    zeros_blk = jnp.zeros((ZR, D), jnp.float32)

    deg_parts = pl.kernel(
        _sc_degrees_body,
        out_type=jax.ShapeDtypeStruct((NC, N, D), jnp.float32),
        mesh=_mesh(),
        scratch_types=[
            pltpu.VMEM((EW, CH), jnp.int32),
            pltpu.VMEM((CH, D), jnp.float32),
            pltpu.SemaphoreType.DMA,
            pltpu.VMEM_SHARED((N_ACC, D), jnp.float32),
        ],
    )(dst_p, zeros_blk, ones_rows)

    blk = 1000
    z = pl.pallas_call(
        _tc_matmul_body,
        grid=(N // blk,),
        in_specs=[
            pl.BlockSpec((blk, D), lambda i: (i, 0)),
            pl.BlockSpec((D, D), lambda i: (0, 0)),
        ],
        out_specs=pl.BlockSpec((blk, D), lambda i: (i, 0)),
        out_shape=jax.ShapeDtypeStruct((N, D), jnp.float32),
    )(features, W)
    z2 = pl.pallas_call(
        _tc_scale_body,
        grid=(N // blk,),
        in_specs=[
            pl.BlockSpec((blk, D), lambda i: (i, 0)),
            pl.BlockSpec((NC, blk, D), lambda i: (0, i, 0)),
        ],
        out_specs=pl.BlockSpec((blk, D), lambda i: (i, 0)),
        out_shape=jax.ShapeDtypeStruct((N, D), jnp.float32),
    )(z, deg_parts)

    agg_parts = pl.kernel(
        _sc_segment_sum_body,
        out_type=jax.ShapeDtypeStruct((NC, N, D), jnp.float32),
        mesh=_mesh(),
        scratch_types=[
            pltpu.VMEM((2 * BB, CH), jnp.int32),
            pltpu.VMEM((CH, D), jnp.float32),
            pltpu.VMEM((CH, D), jnp.float32),
            pltpu.VMEM((CH, D), jnp.float32),
            pltpu.SemaphoreType.DMA,
            pltpu.SemaphoreType.DMA,
            pltpu.SemaphoreType.DMA,
            pltpu.SemaphoreType.DMA,
            pltpu.SemaphoreType.DMA,
            pltpu.SemaphoreType.DMA,
            pltpu.VMEM_SHARED((N_ACC, D), jnp.float32),
        ],
    )(z2, sd, zeros_blk)

    out = pl.pallas_call(
        _tc_epilogue_body,
        out_shape=jax.ShapeDtypeStruct((N, D), jnp.float32),
    )(agg_parts, deg_parts, b.reshape(1, D), gamma.reshape(1, D),
      beta.reshape(1, D), features)
    return out

# --- scband reference (transcript-rebuilt; emitter-appended) ---
"""Pipeline reference for scband-gcnlayer-34411277975785 (READ-ONLY COPY).

The authoritative reference and input builder live on the scoring server;
editing this copy changes nothing except your own understanding.
"""

import jax, jax.numpy as jnp
import numpy as np

N = 10000
E = 320000
D = 128
EPS = 1e-5

def setup_inputs(seed: int = 0) -> dict:
    key = jax.random.key(seed)
    k1, k2, k3, k4 = jax.random.split(key, 4)
    x = jax.random.normal(k1, (N, D), dtype=jnp.float32)
    edge_index = jax.random.randint(k2, (2, E), 0, N, dtype=jnp.int32)
    W = jax.random.normal(k3, (D, D), dtype=jnp.float32) * (1.0 / np.sqrt(D))
    b = jnp.zeros((D,), dtype=jnp.float32)
    gamma = jnp.ones((D,), dtype=jnp.float32)
    beta = jnp.zeros((D,), dtype=jnp.float32)
    return {"features": x, "edge_index": edge_index, "W": W, "b": b, "gamma": gamma, "beta": beta}

def reference(features, edge_index, W, b, gamma, beta):
    src = edge_index[0]
    dst = edge_index[1]
    h_in = features
    # in-degrees, clamped to min 1
    degs = jnp.bincount(dst, length=N).astype(jnp.float32)
    degs = jnp.maximum(degs, 1.0)
    norm = jnp.power(degs, -0.5)[:, None]
    # symmetric-ish normalization (pre)
    h = features * norm
    # message passing: copy_src + sum reduce
    msgs = jnp.take(h, src, axis=0)
    agg = jax.ops.segment_sum(msgs, dst, num_segments=N)
    # apply_func: Linear(indim, outdim)
    h = agg @ W + b
    # normalization (post)
    h = h * norm
    # BatchNorm1d (training-mode statistics)
    mean = jnp.mean(h, axis=0)
    var = jnp.var(h, axis=0)
    h = (h - mean) / jnp.sqrt(var + EPS) * gamma + beta
    # activation
    h = jax.nn.relu(h)
    # residual (indim == outdim)
    h = h_in + h
    # dropout p=0.0 -> identity
    return h

if __name__ == "__main__":
    import jax
    _d = setup_inputs()
    print(jax.jit(kernel)(*tuple(_d.values())))

</pallas_src>

<mosaic_0001>
#map = affine_map<(d0, d1) -> (0, 0)>
#map1 = affine_map<(d0, d1) -> (0, 0, 0)>
module attributes {stable_mosaic.version = 14 : i64} {
  func.func @_sc_segment_sum_body(%arg0: i32, %arg1: i32, %arg2: memref<10000x128xf32, #tpu.memory_space<hbm>>, %arg3: memref<5120x128xi32, #tpu.memory_space<hbm>>, %arg4: memref<1000x128xf32, #tpu.memory_space<hbm>>, %arg5: memref<2x10000x128xf32, #tpu.memory_space<hbm>>, %arg6: memref<8x128xi32, #tpu.memory_space<vmem>>, %arg7: memref<128x128xf32, #tpu.memory_space<vmem>>, %arg8: memref<128x128xf32, #tpu.memory_space<vmem>>, %arg9: memref<128x128xf32, #tpu.memory_space<vmem>>, %arg10: memref<!tpu.dma_semaphore, #tpu.memory_space<semaphore_mem>>, %arg11: memref<!tpu.dma_semaphore, #tpu.memory_space<semaphore_mem>>, %arg12: memref<!tpu.dma_semaphore, #tpu.memory_space<semaphore_mem>>, %arg13: memref<!tpu.dma_semaphore, #tpu.memory_space<semaphore_mem>>, %arg14: memref<!tpu.dma_semaphore, #tpu.memory_space<semaphore_mem>>, %arg15: memref<!tpu.dma_semaphore, #tpu.memory_space<semaphore_mem>>, %arg16: memref<10008x128xf32, #tpu.memory_space<vmem_shared>>) attributes {dimension_semantics = [#tpu.dimension_semantics<core_parallel>, #tpu.dimension_semantics<subcore_parallel>], iteration_bounds = array<i64: 2, 16>, scalar_prefetch = 0 : i64, scratch_operands = 11 : i64, tpu.core_type = #tpu.core_type<sc_vector_subcore>, window_params = [{transform_indices = #map}, {transform_indices = #map}, {transform_indices = #map}, {transform_indices = #map1}]} {
    %mul3A = arith.constant 16 : i32
    %mul3A_0 = arith.muli %arg0, %mul3A : i32
    %add3A = arith.addi %mul3A_0, %arg1 : i32
    %lt3A = arith.constant 10 : i32
    %lt3A_1 = arith.cmpi slt, %arg1, %lt3A : i32
    %convert_element_type3A = arith.extui %lt3A_1 : i1 to i32
    %cond3A = arith.constant 0 : i32
    %cond3A_2 = arith.cmpi ne, %convert_element_type3A, %cond3A : i32
    scf.if %cond3A_2 {
      %mul3A_29 = arith.constant 1000 : i32
      %mul3A_30 = arith.muli %arg1, %mul3A_29 : i32
      "tpu.region"() ({
        %run_scoped3A = tpu.sem_alloc : memref<!tpu.dma_semaphore, #tpu.memory_space<semaphore_mem>>
        %dma_start3A = arith.constant 0 : i32
        %dma_start3A_31 = tpu.memref_slice %arg16[%mul3A_30, %dma_start3A] : memref<10008x128xf32, #tpu.memory_space<vmem_shared>> -> memref<1000x128xf32, #tpu.memory_space<vmem_shared>>
        tpu.enqueue_dma source(%arg4 : memref<1000x128xf32, #tpu.memory_space<hbm>>) target(%dma_start3A_31 : memref<1000x128xf32, #tpu.memory_space<vmem_shared>>) target_semaphore(%run_scoped3A : memref<!tpu.dma_semaphore, #tpu.memory_space<semaphore_mem>>)
        %dma_wait3A = arith.constant 0 : i32
        %dma_wait3A_32 = tpu.memref_slice %arg16[%mul3A_30, %dma_wait3A] : memref<10008x128xf32, #tpu.memory_space<vmem_shared>> -> memref<1000x128xf32, #tpu.memory_space<vmem_shared>>
        tpu.wait_dma2 semaphore(%run_scoped3A : memref<!tpu.dma_semaphore, #tpu.memory_space<semaphore_mem>>) src(%arg4 : memref<1000x128xf32, #tpu.memory_space<hbm>>) dst(%dma_wait3A_32 : memref<1000x128xf32, #tpu.memory_space<vmem_shared>>)
        tpu.yield
      }) : () -> ()
    } else {
    }
    %barrier3A = arith.constant 0 : index
    tpu.barrier barrier_id(%barrier3A)
    %eq3A = arith.constant 0 : i32
    %eq3A_3 = arith.cmpi eq, %arg0, %eq3A : i32
    %mul3A_4 = arith.constant 148 : i32
    %mul3A_5 = arith.muli %arg1, %mul3A_4 : i32
    %mul3A_6 = arith.constant 12 : i32
    %mul3A_7 = arith.muli %arg1, %mul3A_6 : i32
    %add3A_8 = arith.constant 2368 : i32
    %add3A_9 = arith.addi %add3A_8, %mul3A_7 : i32
    %select_n3A = arith.select %eq3A_3, %mul3A_5, %add3A_9 : i32
    %eq3A_10 = arith.constant 0 : i32
    %eq3A_11 = arith.cmpi eq, %arg0, %eq3A_10 : i32
    %jit3A = arith.constant 37 : i32
    %jit3A_12 = arith.constant 3 : i32
    %select_n3A_13 = arith.select %eq3A_11, %jit3A, %jit3A_12 : i32
    %while3A = arith.constant 0 : i32
    %while3A_14 = arith.constant 0 : i32
    %while3A_15 = arith.subi %select_n3A_13, %while3A_14 : i32
    %while3A_16 = arith.addi %while3A_14, %while3A_15 : i32
    %while3A_17 = arith.constant 1 : i32
    %while3A_18 = arith.divsi %while3A_15, %while3A_17 : i32
    %while3A_19 = arith.muli %while3A_18, %while3A_17 : i32
    %while3A_20 = arith.addi %while3A_14, %while3A_19 : i32
    %while3A_21 = arith.constant 1 : i32
    scf.for %while3A_29 = %while3A_14 to %while3A_20 step %while3A_21  : i32 {
      %mul3A_30 = arith.constant 4 : i32
      %mul3A_31 = arith.muli %while3A_29, %mul3A_30 : i32
      %add3A_32 = arith.addi %select_n3A, %mul3A_31 : i32
      %mul3A_33 = arith.constant 2 : i32
      %mul3A_34 = arith.muli %add3A_32, %mul3A_33 : i32
      "tpu.region"() ({
        %run_scoped3A = tpu.sem_alloc : memref<!tpu.dma_semaphore, #tpu.memory_space<semaphore_mem>>
        %dma_start3A_145 = arith.constant 0 : i32
        %dma_start3A_146 = tpu.memref_slice %arg3[%mul3A_34, %dma_start3A_145] : memref<5120x128xi32, #tpu.memory_space<hbm>> -> memref<8x128xi32, #tpu.memory_space<hbm>>
        %dma_start3A_147 = arith.constant 0 : i32
        %dma_start3A_148 = tpu.memref_slice %arg3[%mul3A_34, %dma_start3A_147] : memref<5120x128xi32, #tpu.memory_space<hbm>> -> memref<8x128xi32, #tpu.memory_space<hbm>>
        tpu.enqueue_dma source(%dma_start3A_148 : memref<8x128xi32, #tpu.memory_space<hbm>>) target(%arg6 : memref<8x128xi32, #tpu.memory_space<vmem>>) target_semaphore(%run_scoped3A : memref<!tpu.dma_semaphore, #tpu.memory_space<semaphore_mem>>)
        %dma_wait3A_149 = arith.constant 0 : i32
        %dma_wait3A_150 = tpu.memref_slice %arg3[%mul3A_34, %dma_wait3A_149] : memref<5120x128xi32, #tpu.memory_space<hbm>> -> memref<8x128xi32, #tpu.memory_space<hbm>>
        %dma_wait3A_151 = arith.constant 0 : i32
        %dma_wait3A_152 = tpu.memref_slice %arg3[%mul3A_34, %dma_wait3A_151] : memref<5120x128xi32, #tpu.memory_space<hbm>> -> memref<8x128xi32, #tpu.memory_space<hbm>>
        tpu.wait_dma2 semaphore(%run_scoped3A : memref<!tpu.dma_semaphore, #tpu.memory_space<semaphore_mem>>) src(%dma_wait3A_152 : memref<8x128xi32, #tpu.memory_space<hbm>>) dst(%arg6 : memref<8x128xi32, #tpu.memory_space<vmem>>)
        tpu.yield
      }) : () -> ()
      %dma_start3A = arith.constant 0 : i32
      %dma_start3A_35 = arith.constant 0 : i32
      %dma_start3A_36 = tpu.memref_slice %arg6[%dma_start3A, %dma_start3A_35] : memref<8x128xi32, #tpu.memory_space<vmem>> -> memref<1x128xi32, #tpu.memory_space<vmem>>
      %dma_start3A_37 = tpu.memref_squeeze %dma_start3A_36 : memref<1x128xi32, #tpu.memory_space<vmem>> -> memref<128xi32, #tpu.memory_space<vmem>>
      %dma_start3A_38 = arith.constant 0 : i32
      %dma_start3A_39 = arith.constant 0 : i32
      %dma_start3A_40 = tpu.memref_slice %arg2[%dma_start3A_38, %dma_start3A_39] : memref<10000x128xf32, #tpu.memory_space<hbm>> -> memref<10000x128xf32, #tpu.memory_space<hbm>>
      tpu.enqueue_indirect_dma source(%dma_start3A_40 : memref<10000x128xf32, #tpu.memory_space<hbm>>) target(%arg7 : memref<128x128xf32, #tpu.memory_space<vmem>>) offsets(%dma_start3A_37 : memref<128xi32, #tpu.memory_space<vmem>>) semaphore(%arg10 : memref<!tpu.dma_semaphore, #tpu.memory_space<semaphore_mem>>)
      %dma_start3A_41 = arith.constant 2 : i32
      %dma_start3A_42 = arith.constant 0 : i32
      %dma_start3A_43 = tpu.memref_slice %arg6[%dma_start3A_41, %dma_start3A_42] : memref<8x128xi32, #tpu.memory_space<vmem>> -> memref<1x128xi32, #tpu.memory_space<vmem>>
      %dma_start3A_44 = tpu.memref_squeeze %dma_start3A_43 : memref<1x128xi32, #tpu.memory_space<vmem>> -> memref<128xi32, #tpu.memory_space<vmem>>
      %dma_start3A_45 = arith.constant 0 : i32
      %dma_start3A_46 = arith.constant 0 : i32
      %dma_start3A_47 = tpu.memref_slice %arg2[%dma_start3A_45, %dma_start3A_46] : memref<10000x128xf32, #tpu.memory_space<hbm>> -> memref<10000x128xf32, #tpu.memory_space<hbm>>
      tpu.enqueue_indirect_dma source(%dma_start3A_47 : memref<10000x128xf32, #tpu.memory_space<hbm>>) target(%arg8 : memref<128x128xf32, #tpu.memory_space<vmem>>) offsets(%dma_start3A_44 : memref<128xi32, #tpu.memory_space<vmem>>) semaphore(%arg11 : memref<!tpu.dma_semaphore, #tpu.memory_space<semaphore_mem>>)
      %dma_wait3A = arith.constant 0 : i32
      %dma_wait3A_48 = arith.constant 0 : i32
      %dma_wait3A_49 = tpu.memref_slice %arg6[%dma_wait3A, %dma_wait3A_48] : memref<8x128xi32, #tpu.memory_space<vmem>> -> memref<1x128xi32, #tpu.memory_space<vmem>>
      %dma_wait3A_50 = tpu.memref_squeeze %dma_wait3A_49 : memref<1x128xi32, #tpu.memory_space<vmem>> -> memref<128xi32, #tpu.memory_space<vmem>>
      %dma_wait3A_51 = arith.constant 0 : i32
      %dma_wait3A_52 = arith.constant 0 : i32
      %dma_wait3A_53 = tpu.memref_slice %arg2[%dma_wait3A_51, %dma_wait3A_52] : memref<10000x128xf32, #tpu.memory_space<hbm>> -> memref<10000x128xf32, #tpu.memory_space<hbm>>
      tpu.wait_indirect_dma semaphore(%arg10 : memref<!tpu.dma_semaphore, #tpu.memory_space<semaphore_mem>>) src(%dma_wait3A_53 : memref<10000x128xf32, #tpu.memory_space<hbm>>) dst(%arg7 : memref<128x128xf32, #tpu.memory_space<vmem>>)
      %dma_start3A_54 = arith.constant 1 : i32
      %dma_start3A_55 = arith.constant 0 : i32
      %dma_start3A_56 = tpu.memref_slice %arg6[%dma_start3A_54, %dma_start3A_55] : memref<8x128xi32, #tpu.memory_space<vmem>> -> memref<1x128xi32, #tpu.memory_space<vmem>>
      %dma_start3A_57 = tpu.memref_squeeze %dma_start3A_56 : memref<1x128xi32, #tpu.memory_space<vmem>> -> memref<128xi32, #tpu.memory_space<vmem>>
      %dma_start3A_58 = arith.constant 0 : i32
      %dma_start3A_59 = arith.constant 0 : i32
      %dma_start3A_60 = tpu.memref_slice %arg16[%dma_start3A_58, %dma_start3A_59] : memref<10008x128xf32, #tpu.memory_space<vmem_shared>> -> memref<10008x128xf32, #tpu.memory_space<vmem_shared>>
      tpu.enqueue_indirect_dma source(%arg7 : memref<128x128xf32, #tpu.memory_space<vmem>>) target(%dma_start3A_60 : memref<10008x128xf32, #tpu.memory_space<vmem_shared>>) offsets(%dma_start3A_57 : memref<128xi32, #tpu.memory_space<vmem>>) semaphore(%arg13 : memref<!tpu.dma_semaphore, #tpu.memory_space<semaphore_mem>>) {add = true}
      %dma_start3A_61 = arith.constant 4 : i32
      %dma_start3A_62 = arith.constant 0 : i32
      %dma_start3A_63 = tpu.memref_slice %arg6[%dma_start3A_61, %dma_start3A_62] : memref<8x128xi32, #tpu.memory_space<vmem>> -> memref<1x128xi32, #tpu.memory_space<vmem>>
      %dma_start3A_64 = tpu.memref_squeeze %dma_start3A_63 : memref<1x128xi32, #tpu.memory_space<vmem>> -> memref<128xi32, #tpu.memory_space<vmem>>
      %dma_start3A_65 = arith.constant 0 : i32
      %dma_start3A_66 = arith.constant 0 : i32
      %dma_start3A_67 = tpu.memref_slice %arg2[%dma_start3A_65, %dma_start3A_66] : memref<10000x128xf32, #tpu.memory_space<hbm>> -> memref<10000x128xf32, #tpu.memory_space<hbm>>
      tpu.enqueue_indirect_dma source(%dma_start3A_67 : memref<10000x128xf32, #tpu.memory_space<hbm>>) target(%arg9 : memref<128x128xf32, #tpu.memory_space<vmem>>) offsets(%dma_start3A_64 : memref<128xi32, #tpu.memory_space<vmem>>) semaphore(%arg12 : memref<!tpu.dma_semaphore, #tpu.memory_space<semaphore_mem>>)
      %dma_wait3A_68 = arith.constant 0 : i32
      %dma_wait3A_69 = arith.constant 0 : i32
      %dma_wait3A_70 = tpu.memref_slice %arg6[%dma_wait3A_68, %dma_wait3A_69] : memref<8x128xi32, #tpu.memory_space<vmem>> -> memref<1x128xi32, #tpu.memory_space<vmem>>
      %dma_wait3A_71 = tpu.memref_squeeze %dma_wait3A_70 : memref<1x128xi32, #tpu.memory_space<vmem>> -> memref<128xi32, #tpu.memory_space<vmem>>
      %dma_wait3A_72 = arith.constant 0 : i32
      %dma_wait3A_73 = arith.constant 0 : i32
      %dma_wait3A_74 = tpu.memref_slice %arg2[%dma_wait3A_72, %dma_wait3A_73] : memref<10000x128xf32, #tpu.memory_space<hbm>> -> memref<10000x128xf32, #tpu.memory_space<hbm>>
      tpu.wait_indirect_dma semaphore(%arg11 : memref<!tpu.dma_semaphore, #tpu.memory_space<semaphore_mem>>) src(%dma_wait3A_74 : memref<10000x128xf32, #tpu.memory_space<hbm>>) dst(%arg8 : memref<128x128xf32, #tpu.memory_space<vmem>>)
      %dma_start3A_75 = arith.constant 3 : i32
      %dma_start3A_76 = arith.constant 0 : i32
      %dma_start3A_77 = tpu.memref_slice %arg6[%dma_start3A_75, %dma_start3A_76] : memref<8x128xi32, #tpu.memory_space<vmem>> -> memref<1x128xi32, #tpu.memory_space<vmem>>
      %dma_start3A_78 = tpu.memref_squeeze %dma_start3A_77 : memref<1x128xi32, #tpu.memory_space<vmem>> -> memref<128xi32, #tpu.memory_space<vmem>>
      %dma_start3A_79 = arith.constant 0 : i32
      %dma_start3A_80 = arith.constant 0 : i32
      %dma_start3A_81 = tpu.memref_slice %arg16[%dma_start3A_79, %dma_start3A_80] : memref<10008x128xf32, #tpu.memory_space<vmem_shared>> -> memref<10008x128xf32, #tpu.memory_space<vmem_shared>>
      tpu.enqueue_indirect_dma source(%arg8 : memref<128x128xf32, #tpu.memory_space<vmem>>) target(%dma_start3A_81 : memref<10008x128xf32, #tpu.memory_space<vmem_shared>>) offsets(%dma_start3A_78 : memref<128xi32, #tpu.memory_space<vmem>>) semaphore(%arg14 : memref<!tpu.dma_semaphore, #tpu.memory_space<semaphore_mem>>) {add = true}
      %dma_wait3A_82 = arith.constant 1 : i32
      %dma_wait3A_83 = arith.constant 0 : i32
      %dma_wait3A_84 = tpu.memref_slice %arg6[%dma_wait3A_82, %dma_wait3A_83] : memref<8x128xi32, #tpu.memory_space<vmem>> -> memref<1x128xi32, #tpu.memory_space<vmem>>
      %dma_wait3A_85 = tpu.memref_squeeze %dma_wait3A_84 : memref<1x128xi32, #tpu.memory_space<vmem>> -> memref<128xi32, #tpu.memory_space<vmem>>
      %dma_wait3A_86 = arith.constant 0 : i32
      %dma_wait3A_87 = arith.constant 0 : i32
      %dma_wait3A_88 = tpu.memref_slice %arg16[%dma_wait3A_86, %dma_wait3A_87] : memref<10008x128xf32, #tpu.memory_space<vmem_shared>> -> memref<10008x128xf32, #tpu.memory_space<vmem_shared>>
      tpu.wait_indirect_dma semaphore(%arg13 : memref<!tpu.dma_semaphore, #tpu.memory_space<semaphore_mem>>) src(%arg7 : memref<128x128xf32, #tpu.memory_space<vmem>>) dst(%dma_wait3A_88 : memref<10008x128xf32, #tpu.memory_space<vmem_shared>>)
      %dma_start3A_89 = arith.constant 6 : i32
      %dma_start3A_90 = arith.constant 0 : i32
      %dma_start3A_91 = tpu.memref_slice %arg6[%dma_start3A_89, %dma_start3A_90] : memref<8x128xi32, #tpu.memory_space<vmem>> -> memref<1x128xi32, #tpu.memory_space<vmem>>
      %dma_start3A_92 = tpu.memref_squeeze %dma_start3A_91 : memref<1x128xi32, #tpu.memory_space<vmem>> -> memref<128xi32, #tpu.memory_space<vmem>>
      %dma_start3A_93 = arith.constant 0 : i32
      %dma_start3A_94 = arith.constant 0 : i32
      %dma_start3A_95 = tpu.memref_slice %arg2[%dma_start3A_93, %dma_start3A_94] : memref<10000x128xf32, #tpu.memory_space<hbm>> -> memref<10000x128xf32, #tpu.memory_space<hbm>>
      tpu.enqueue_indirect_dma source(%dma_start3A_95 : memref<10000x128xf32, #tpu.memory_space<hbm>>) target(%arg7 : memref<128x128xf32, #tpu.memory_space<vmem>>) offsets(%dma_start3A_92 : memref<128xi32, #tpu.memory_space<vmem>>) semaphore(%arg10 : memref<!tpu.dma_semaphore, #tpu.memory_space<semaphore_mem>>)
      %dma_wait3A_96 = arith.constant 0 : i32
      %dma_wait3A_97 = arith.constant 0 : i32
      %dma_wait3A_98 = tpu.memref_slice %arg6[%dma_wait3A_96, %dma_wait3A_97] : memref<8x128xi32, #tpu.memory_space<vmem>> -> memref<1x128xi32, #tpu.memory_space<vmem>>
      %dma_wait3A_99 = tpu.memref_squeeze %dma_wait3A_98 : memref<1x128xi32, #tpu.memory_space<vmem>> -> memref<128xi32, #tpu.memory_space<vmem>>
      %dma_wait3A_100 = arith.constant 0 : i32
      %dma_wait3A_101 = arith.constant 0 : i32
      %dma_wait3A_102 = tpu.memref_slice %arg2[%dma_wait3A_100, %dma_wait3A_101] : memref<10000x128xf32, #tpu.memory_space<hbm>> -> memref<10000x128xf32, #tpu.memory_space<hbm>>
      tpu.wait_indirect_dma semaphore(%arg12 : memref<!tpu.dma_semaphore, #tpu.memory_space<semaphore_mem>>) src(%dma_wait3A_102 : memref<10000x128xf32, #tpu.memory_space<hbm>>) dst(%arg9 : memref<128x128xf32, #tpu.memory_space<vmem>>)
      %dma_start3A_103 = arith.constant 5 : i32
      %dma_start3A_104 = arith.constant 0 : i32
      %dma_start3A_105 = tpu.memref_slice %arg6[%dma_start3A_103, %dma_start3A_104] : memref<8x128xi32, #tpu.memory_space<vmem>> -> memref<1x128xi32, #tpu.memory_space<vmem>>
      %dma_start3A_106 = tpu.memref_squeeze %dma_start3A_105 : memref<1x128xi32, #tpu.memory_space<vmem>> -> memref<128xi32, #tpu.memory_space<vmem>>
      %dma_start3A_107 = arith.constant 0 : i32
      %dma_start3A_108 = arith.constant 0 : i32
      %dma_start3A_109 = tpu.memref_slice %arg16[%dma_start3A_107, %dma_start3A_108] : memref<10008x128xf32, #tpu.memory_space<vmem_shared>> -> memref<10008x128xf32, #tpu.memory_space<vmem_shared>>
      tpu.enqueue_indirect_dma source(%arg9 : memref<128x128xf32, #tpu.memory_space<vmem>>) target(%dma_start3A_109 : memref<10008x128xf32, #tpu.memory_space<vmem_shared>>) offsets(%dma_start3A_106 : memref<128xi32, #tpu.memory_space<vmem>>) semaphore(%arg15 : memref<!tpu.dma_semaphore, #tpu.memory_space<semaphore_mem>>) {add = true}
      %dma_wait3A_110 = arith.constant 0 : i32
      %dma_wait3A_111 = arith.constant 0 : i32
      %dma_wait3A_112 = tpu.memref_slice %arg6[%dma_wait3A_110, %dma_wait3A_111] : memref<8x128xi32, #tpu.memory_space<vmem>> -> memref<1x128xi32, #tpu.memory_space<vmem>>
      %dma_wait3A_113 = tpu.memref_squeeze %dma_wait3A_112 : memref<1x128xi32, #tpu.memory_space<vmem>> -> memref<128xi32, #tpu.memory_space<vmem>>
      %dma_wait3A_114 = arith.constant 0 : i32
      %dma_wait3A_115 = arith.constant 0 : i32
      %dma_wait3A_116 = tpu.memref_slice %arg2[%dma_wait3A_114, %dma_wait3A_115] : memref<10000x128xf32, #tpu.memory_space<hbm>> -> memref<10000x128xf32, #tpu.memory_space<hbm>>
      tpu.wait_indirect_dma semaphore(%arg10 : memref<!tpu.dma_semaphore, #tpu.memory_space<semaphore_mem>>) src(%dma_wait3A_116 : memref<10000x128xf32, #tpu.memory_space<hbm>>) dst(%arg7 : memref<128x128xf32, #tpu.memory_space<vmem>>)
      %dma_start3A_117 = arith.constant 7 : i32
      %dma_start3A_118 = arith.constant 0 : i32
      %dma_start3A_119 = tpu.memref_slice %arg6[%dma_start3A_117, %dma_start3A_118] : memref<8x128xi32, #tpu.memory_space<vmem>> -> memref<1x128xi32, #tpu.memory_space<vmem>>
      %dma_start3A_120 = tpu.memref_squeeze %dma_start3A_119 : memref<1x128xi32, #tpu.memory_space<vmem>> -> memref<128xi32, #tpu.memory_space<vmem>>
      %dma_start3A_121 = arith.constant 0 : i32
      %dma_start3A_122 = arith.constant 0 : i32
      %dma_start3A_123 = tpu.memref_slice %arg16[%dma_start3A_121, %dma_start3A_122] : memref<10008x128xf32, #tpu.memory_space<vmem_shared>> -> memref<10008x128xf32, #tpu.memory_space<vmem_shared>>
      tpu.enqueue_indirect_dma source(%arg7 : memref<128x128xf32, #tpu.memory_space<vmem>>) target(%dma_start3A_123 : memref<10008x128xf32, #tpu.memory_space<vmem_shared>>) offsets(%dma_start3A_120 : memref<128xi32, #tpu.memory_space<vmem>>) semaphore(%arg13 : memref<!tpu.dma_semaphore, #tpu.memory_space<semaphore_mem>>) {add = true}
      %dma_wait3A_124 = arith.constant 1 : i32
      %dma_wait3A_125 = arith.constant 0 : i32
      %dma_wait3A_126 = tpu.memref_slice %arg6[%dma_wait3A_124, %dma_wait3A_125] : memref<8x128xi32, #tpu.memory_space<vmem>> -> memref<1x128xi32, #tpu.memory_space<vmem>>
      %dma_wait3A_127 = tpu.memref_squeeze %dma_wait3A_126 : memref<1x128xi32, #tpu.memory_space<vmem>> -> memref<128xi32, #tpu.memory_space<vmem>>
      %dma_wait3A_128 = arith.constant 0 : i32
      %dma_wait3A_129 = arith.constant 0 : i32
      %dma_wait3A_130 = tpu.memref_slice %arg16[%dma_wait3A_128, %dma_wait3A_129] : memref<10008x128xf32, #tpu.memory_space<vmem_shared>> -> memref<10008x128xf32, #tpu.memory_space<vmem_shared>>
      tpu.wait_indirect_dma semaphore(%arg14 : memref<!tpu.dma_semaphore, #tpu.memory_space<semaphore_mem>>) src(%arg8 : memref<128x128xf32, #tpu.memory_space<vmem>>) dst(%dma_wait3A_130 : memref<10008x128xf32, #tpu.memory_space<vmem_shared>>)
      %dma_wait3A_131 = arith.constant 1 : i32
      %dma_wait3A_132 = arith.constant 0 : i32
      %dma_wait3A_133 = tpu.memref_slice %arg6[%dma_wait3A_131, %dma_wait3A_132] : memref<8x128xi32, #tpu.memory_space<vmem>> -> memref<1x128xi32, #tpu.memory_space<vmem>>
      %dma_wait3A_134 = tpu.memref_squeeze %dma_wait3A_133 : memref<1x128xi32, #tpu.memory_space<vmem>> -> memref<128xi32, #tpu.memory_space<vmem>>
      %dma_wait3A_135 = arith.constant 0 : i32
      %dma_wait3A_136 = arith.constant 0 : i32
      %dma_wait3A_137 = tpu.memref_slice %arg16[%dma_wait3A_135, %dma_wait3A_136] : memref<10008x128xf32, #tpu.memory_space<vmem_shared>> -> memref<10008x128xf32, #tpu.memory_space<vmem_shared>>
      tpu.wait_indirect_dma semaphore(%arg15 : memref<!tpu.dma_semaphore, #tpu.memory_space<semaphore_mem>>) src(%arg9 : memref<128x128xf32, #tpu.memory_space<vmem>>) dst(%dma_wait3A_137 : memref<10008x128xf32, #tpu.memory_space<vmem_shared>>)
      %dma_wait3A_138 = arith.constant 1 : i32
      %dma_wait3A_139 = arith.constant 0 : i32
      %dma_wait3A_140 = tpu.memref_slice %arg6[%dma_wait3A_138, %dma_wait3A_139] : memref<8x128xi32, #tpu.memory_space<vmem>> -> memref<1x128xi32, #tpu.memory_space<vmem>>
      %dma_wait3A_141 = tpu.memref_squeeze %dma_wait3A_140 : memref<1x128xi32, #tpu.memory_space<vmem>> -> memref<128xi32, #tpu.memory_space<vmem>>
      %dma_wait3A_142 = arith.constant 0 : i32
      %dma_wait3A_143 = arith.constant 0 : i32
      %dma_wait3A_144 = tpu.memref_slice %arg16[%dma_wait3A_142, %dma_wait3A_143] : memref<10008x128xf32, #tpu.memory_space<vmem_shared>> -> memref<10008x128xf32, #tpu.memory_space<vmem_shared>>
      tpu.wait_indirect_dma semaphore(%arg13 : memref<!tpu.dma_semaphore, #tpu.memory_space<semaphore_mem>>) src(%arg7 : memref<128x128xf32, #tpu.memory_space<vmem>>) dst(%dma_wait3A_144 : memref<10008x128xf32, #tpu.memory_space<vmem_shared>>)
    }
    %while3A_22 = arith.constant 1 : i32
    scf.for %while3A_29 = %while3A_20 to %while3A_16 step %while3A_22  : i32 {
      %mul3A_30 = arith.constant 4 : i32
      %mul3A_31 = arith.muli %while3A_29, %mul3A_30 : i32
      %add3A_32 = arith.addi %select_n3A, %mul3A_31 : i32
      %mul3A_33 = arith.constant 2 : i32
      %mul3A_34 = arith.muli %add3A_32, %mul3A_33 : i32
      "tpu.region"() ({
        %run_scoped3A = tpu.sem_alloc : memref<!tpu.dma_semaphore, #tpu.memory_space<semaphore_mem>>
        %dma_start3A_145 = arith.constant 0 : i32
        %dma_start3A_146 = tpu.memref_slice %arg3[%mul3A_34, %dma_start3A_145] : memref<5120x128xi32, #tpu.memory_space<hbm>> -> memref<8x128xi32, #tpu.memory_space<hbm>>
        %dma_start3A_147 = arith.constant 0 : i32
        %dma_start3A_148 = tpu.memref_slice %arg3[%mul3A_34, %dma_start3A_147] : memref<5120x128xi32, #tpu.memory_space<hbm>> -> memref<8x128xi32, #tpu.memory_space<hbm>>
        tpu.enqueue_dma source(%dma_start3A_148 : memref<8x128xi32, #tpu.memory_space<hbm>>) target(%arg6 : memref<8x128xi32, #tpu.memory_space<vmem>>) target_semaphore(%run_scoped3A : memref<!tpu.dma_semaphore, #tpu.memory_space<semaphore_mem>>)
        %dma_wait3A_149 = arith.constant 0 : i32
        %dma_wait3A_150 = tpu.memref_slice %arg3[%mul3A_34, %dma_wait3A_149] : memref<5120x128xi32, #tpu.memory_space<hbm>> -> memref<8x128xi32, #tpu.memory_space<hbm>>
        %dma_wait3A_151 = arith.constant 0 : i32
        %dma_wait3A_152 = tpu.memref_slice %arg3[%mul3A_34, %dma_wait3A_151] : memref<5120x128xi32, #tpu.memory_space<hbm>> -> memref<8x128xi32, #tpu.memory_space<hbm>>
        tpu.wait_dma2 semaphore(%run_scoped3A : memref<!tpu.dma_semaphore, #tpu.memory_space<semaphore_mem>>) src(%dma_wait3A_152 : memref<8x128xi32, #tpu.memory_space<hbm>>) dst(%arg6 : memref<8x128xi32, #tpu.memory_space<vmem>>)
        tpu.yield
      }) : () -> ()
      %dma_start3A = arith.constant 0 : i32
      %dma_start3A_35 = arith.constant 0 : i32
      %dma_start3A_36 = tpu.memref_slice %arg6[%dma_start3A, %dma_start3A_35] : memref<8x128xi32, #tpu.memory_space<vmem>> -> memref<1x128xi32, #tpu.memory_space<vmem>>
      %dma_start3A_37 = tpu.memref_squeeze %dma_start3A_36 : memref<1x128xi32, #tpu.memory_space<vmem>> -> memref<128xi32, #tpu.memory_space<vmem>>
      %dma_start3A_38 = arith.constant 0 : i32
      %dma_start3A_39 = arith.constant 0 : i32
      %dma_start3A_40 = tpu.memref_slice %arg2[%dma_start3A_38, %dma_start3A_39] : memref<10000x128xf32, #tpu.memory_space<hbm>> -> memref<10000x128xf32, #tpu.memory_space<hbm>>
      tpu.enqueue_indirect_dma source(%dma_start3A_40 : memref<10000x128xf32, #tpu.memory_space<hbm>>) target(%arg7 : memref<128x128xf32, #tpu.memory_space<vmem>>) offsets(%dma_start3A_37 : memref<128xi32, #tpu.memory_space<vmem>>) semaphore(%arg10 : memref<!tpu.dma_semaphore, #tpu.memory_space<semaphore_mem>>)
      %dma_start3A_41 = arith.constant 2 : i32
      %dma_start3A_42 = arith.constant 0 : i32
      %dma_start3A_43 = tpu.memref_slice %arg6[%dma_start3A_41, %dma_start3A_42] : memref<8x128xi32, #tpu.memory_space<vmem>> -> memref<1x128xi32, #tpu.memory_space<vmem>>
      %dma_start3A_44 = tpu.memref_squeeze %dma_start3A_43 : memref<1x128xi32, #tpu.memory_space<vmem>> -> memref<128xi32, #tpu.memory_space<vmem>>
      %dma_start3A_45 = arith.constant 0 : i32
      %dma_start3A_46 = arith.constant 0 : i32
      %dma_start3A_47 = tpu.memref_slice %arg2[%dma_start3A_45, %dma_start3A_46] : memref<10000x128xf32, #tpu.memory_space<hbm>> -> memref<10000x128xf32, #tpu.memory_space<hbm>>
      tpu.enqueue_indirect_dma source(%dma_start3A_47 : memref<10000x128xf32, #tpu.memory_space<hbm>>) target(%arg8 : memref<128x128xf32, #tpu.memory_space<vmem>>) offsets(%dma_start3A_44 : memref<128xi32, #tpu.memory_space<vmem>>) semaphore(%arg11 : memref<!tpu.dma_semaphore, #tpu.memory_space<semaphore_mem>>)
      %dma_wait3A = arith.constant 0 : i32
      %dma_wait3A_48 = arith.constant 0 : i32
      %dma_wait3A_49 = tpu.memref_slice %arg6[%dma_wait3A, %dma_wait3A_48] : memref<8x128xi32, #tpu.memory_space<vmem>> -> memref<1x128xi32, #tpu.memory_space<vmem>>
      %dma_wait3A_50 = tpu.memref_squeeze %dma_wait3A_49 : memref<1x128xi32, #tpu.memory_space<vmem>> -> memref<128xi32, #tpu.memory_space<vmem>>
      %dma_wait3A_51 = arith.constant 0 : i32
      %dma_wait3A_52 = arith.constant 0 : i32
      %dma_wait3A_53 = tpu.memref_slice %arg2[%dma_wait3A_51, %dma_wait3A_52] : memref<10000x128xf32, #tpu.memory_space<hbm>> -> memref<10000x128xf32, #tpu.memory_space<hbm>>
      tpu.wait_indirect_dma semaphore(%arg10 : memref<!tpu.dma_semaphore, #tpu.memory_space<semaphore_mem>>) src(%dma_wait3A_53 : memref<10000x128xf32, #tpu.memory_space<hbm>>) dst(%arg7 : memref<128x128xf32, #tpu.memory_space<vmem>>)
      %dma_start3A_54 = arith.constant 1 : i32
      %dma_start3A_55 = arith.constant 0 : i32
      %dma_start3A_56 = tpu.memref_slice %arg6[%dma_start3A_54, %dma_start3A_55] : memref<8x128xi32, #tpu.memory_space<vmem>> -> memref<1x128xi32, #tpu.memory_space<vmem>>
      %dma_start3A_57 = tpu.memref_squeeze %dma_start3A_56 : memref<1x128xi32, #tpu.memory_space<vmem>> -> memref<128xi32, #tpu.memory_space<vmem>>
      %dma_start3A_58 = arith.constant 0 : i32
      %dma_start3A_59 = arith.constant 0 : i32
      %dma_start3A_60 = tpu.memref_slice %arg16[%dma_start3A_58, %dma_start3A_59] : memref<10008x128xf32, #tpu.memory_space<vmem_shared>> -> memref<10008x128xf32, #tpu.memory_space<vmem_shared>>
      tpu.enqueue_indirect_dma source(%arg7 : memref<128x128xf32, #tpu.memory_space<vmem>>) target(%dma_start3A_60 : memref<10008x128xf32, #tpu.memory_space<vmem_shared>>) offsets(%dma_start3A_57 : memref<128xi32, #tpu.memory_space<vmem>>) semaphore(%arg13 : memref<!tpu.dma_semaphore, #tpu.memory_space<semaphore_mem>>) {add = true}
      %dma_start3A_61 = arith.constant 4 : i32
      %dma_start3A_62 = arith.constant 0 : i32
      %dma_start3A_63 = tpu.memref_slice %arg6[%dma_start3A_61, %dma_start3A_62] : memref<8x128xi32, #tpu.memory_space<vmem>> -> memref<1x128xi32, #tpu.memory_space<vmem>>
      %dma_start3A_64 = tpu.memref_squeeze %dma_start3A_63 : memref<1x128xi32, #tpu.memory_space<vmem>> -> memref<128xi32, #tpu.memory_space<vmem>>
      %dma_start3A_65 = arith.constant 0 : i32
      %dma_start3A_66 = arith.constant 0 : i32
      %dma_start3A_67 = tpu.memref_slice %arg2[%dma_start3A_65, %dma_start3A_66] : memref<10000x128xf32, #tpu.memory_space<hbm>> -> memref<10000x128xf32, #tpu.memory_space<hbm>>
      tpu.enqueue_indirect_dma source(%dma_start3A_67 : memref<10000x128xf32, #tpu.memory_space<hbm>>) target(%arg9 : memref<128x128xf32, #tpu.memory_space<vmem>>) offsets(%dma_start3A_64 : memref<128xi32, #tpu.memory_space<vmem>>) semaphore(%arg12 : memref<!tpu.dma_semaphore, #tpu.memory_space<semaphore_mem>>)
      %dma_wait3A_68 = arith.constant 0 : i32
      %dma_wait3A_69 = arith.constant 0 : i32
      %dma_wait3A_70 = tpu.memref_slice %arg6[%dma_wait3A_68, %dma_wait3A_69] : memref<8x128xi32, #tpu.memory_space<vmem>> -> memref<1x128xi32, #tpu.memory_space<vmem>>
      %dma_wait3A_71 = tpu.memref_squeeze %dma_wait3A_70 : memref<1x128xi32, #tpu.memory_space<vmem>> -> memref<128xi32, #tpu.memory_space<vmem>>
      %dma_wait3A_72 = arith.constant 0 : i32
      %dma_wait3A_73 = arith.constant 0 : i32
      %dma_wait3A_74 = tpu.memref_slice %arg2[%dma_wait3A_72, %dma_wait3A_73] : memref<10000x128xf32, #tpu.memory_space<hbm>> -> memref<10000x128xf32, #tpu.memory_space<hbm>>
      tpu.wait_indirect_dma semaphore(%arg11 : memref<!tpu.dma_semaphore, #tpu.memory_space<semaphore_mem>>) src(%dma_wait3A_74 : memref<10000x128xf32, #tpu.memory_space<hbm>>) dst(%arg8 : memref<128x128xf32, #tpu.memory_space<vmem>>)
      %dma_start3A_75 = arith.constant 3 : i32
      %dma_start3A_76 = arith.constant 0 : i32
      %dma_start3A_77 = tpu.memref_slice %arg6[%dma_start3A_75, %dma_start3A_76] : memref<8x128xi32, #tpu.memory_space<vmem>> -> memref<1x128xi32, #tpu.memory_space<vmem>>
      %dma_start3A_78 = tpu.memref_squeeze %dma_start3A_77 : memref<1x128xi32, #tpu.memory_space<vmem>> -> memref<128xi32, #tpu.memory_space<vmem>>
      %dma_start3A_79 = arith.constant 0 : i32
      %dma_start3A_80 = arith.constant 0 : i32
      %dma_start3A_81 = tpu.memref_slice %arg16[%dma_start3A_79, %dma_start3A_80] : memref<10008x128xf32, #tpu.memory_space<vmem_shared>> -> memref<10008x128xf32, #tpu.memory_space<vmem_shared>>
      tpu.enqueue_indirect_dma source(%arg8 : memref<128x128xf32, #tpu.memory_space<vmem>>) target(%dma_start3A_81 : memref<10008x128xf32, #tpu.memory_space<vmem_shared>>) offsets(%dma_start3A_78 : memref<128xi32, #tpu.memory_space<vmem>>) semaphore(%arg14 : memref<!tpu.dma_semaphore, #tpu.memory_space<semaphore_mem>>) {add = true}
      %dma_wait3A_82 = arith.constant 1 : i32
      %dma_wait3A_83 = arith.constant 0 : i32
      %dma_wait3A_84 = tpu.memref_slice %arg6[%dma_wait3A_82, %dma_wait3A_83] : memref<8x128xi32, #tpu.memory_space<vmem>> -> memref<1x128xi32, #tpu.memory_space<vmem>>
      %dma_wait3A_85 = tpu.memref_squeeze %dma_wait3A_84 : memref<1x128xi32, #tpu.memory_space<vmem>> -> memref<128xi32, #tpu.memory_space<vmem>>
      %dma_wait3A_86 = arith.constant 0 : i32
      %dma_wait3A_87 = arith.constant 0 : i32
      %dma_wait3A_88 = tpu.memref_slice %arg16[%dma_wait3A_86, %dma_wait3A_87] : memref<10008x128xf32, #tpu.memory_space<vmem_shared>> -> memref<10008x128xf32, #tpu.memory_space<vmem_shared>>
      tpu.wait_indirect_dma semaphore(%arg13 : memref<!tpu.dma_semaphore, #tpu.memory_space<semaphore_mem>>) src(%arg7 : memref<128x128xf32, #tpu.memory_space<vmem>>) dst(%dma_wait3A_88 : memref<10008x128xf32, #tpu.memory_space<vmem_shared>>)
      %dma_start3A_89 = arith.constant 6 : i32
      %dma_start3A_90 = arith.constant 0 : i32
      %dma_start3A_91 = tpu.memref_slice %arg6[%dma_start3A_89, %dma_start3A_90] : memref<8x128xi32, #tpu.memory_space<vmem>> -> memref<1x128xi32, #tpu.memory_space<vmem>>
      %dma_start3A_92 = tpu.memref_squeeze %dma_start3A_91 : memref<1x128xi32, #tpu.memory_space<vmem>> -> memref<128xi32, #tpu.memory_space<vmem>>
      %dma_start3A_93 = arith.constant 0 : i32
      %dma_start3A_94 = arith.constant 0 : i32
      %dma_start3A_95 = tpu.memref_slice %arg2[%dma_start3A_93, %dma_start3A_94] : memref<10000x128xf32, #tpu.memory_space<hbm>> -> memref<10000x128xf32, #tpu.memory_space<hbm>>
      tpu.enqueue_indirect_dma source(%dma_start3A_95 : memref<10000x128xf32, #tpu.memory_space<hbm>>) target(%arg7 : memref<128x128xf32, #tpu.memory_space<vmem>>) offsets(%dma_start3A_92 : memref<128xi32, #tpu.memory_space<vmem>>) semaphore(%arg10 : memref<!tpu.dma_semaphore, #tpu.memory_space<semaphore_mem>>)
      %dma_wait3A_96 = arith.constant 0 : i32
      %dma_wait3A_97 = arith.constant 0 : i32
      %dma_wait3A_98 = tpu.memref_slice %arg6[%dma_wait3A_96, %dma_wait3A_97] : memref<8x128xi32, #tpu.memory_space<vmem>> -> memref<1x128xi32, #tpu.memory_space<vmem>>
      %dma_wait3A_99 = tpu.memref_squeeze %dma_wait3A_98 : memref<1x128xi32, #tpu.memory_space<vmem>> -> memref<128xi32, #tpu.memory_space<vmem>>
      %dma_wait3A_100 = arith.constant 0 : i32
      %dma_wait3A_101 = arith.constant 0 : i32
      %dma_wait3A_102 = tpu.memref_slice %arg2[%dma_wait3A_100, %dma_wait3A_101] : memref<10000x128xf32, #tpu.memory_space<hbm>> -> memref<10000x128xf32, #tpu.memory_space<hbm>>
      tpu.wait_indirect_dma semaphore(%arg12 : memref<!tpu.dma_semaphore, #tpu.memory_space<semaphore_mem>>) src(%dma_wait3A_102 : memref<10000x128xf32, #tpu.memory_space<hbm>>) dst(%arg9 : memref<128x128xf32, #tpu.memory_space<vmem>>)
      %dma_start3A_103 = arith.constant 5 : i32
      %dma_start3A_104 = arith.constant 0 : i32
      %dma_start3A_105 = tpu.memref_slice %arg6[%dma_start3A_103, %dma_start3A_104] : memref<8x128xi32, #tpu.memory_space<vmem>> -> memref<1x128xi32, #tpu.memory_space<vmem>>
      %dma_start3A_106 = tpu.memref_squeeze %dma_start3A_105 : memref<1x128xi32, #tpu.memory_space<vmem>> -> memref<128xi32, #tpu.memory_space<vmem>>
      %dma_start3A_107 = arith.constant 0 : i32
      %dma_start3A_108 = arith.constant 0 : i32
      %dma_start3A_109 = tpu.memref_slice %arg16[%dma_start3A_107, %dma_start3A_108] : memref<10008x128xf32, #tpu.memory_space<vmem_shared>> -> memref<10008x128xf32, #tpu.memory_space<vmem_shared>>
      tpu.enqueue_indirect_dma source(%arg9 : memref<128x128xf32, #tpu.memory_space<vmem>>) target(%dma_start3A_109 : memref<10008x128xf32, #tpu.memory_space<vmem_shared>>) offsets(%dma_start3A_106 : memref<128xi32, #tpu.memory_space<vmem>>) semaphore(%arg15 : memref<!tpu.dma_semaphore, #tpu.memory_space<semaphore_mem>>) {add = true}
      %dma_wait3A_110 = arith.constant 0 : i32
      %dma_wait3A_111 = arith.constant 0 : i32
      %dma_wait3A_112 = tpu.memref_slice %arg6[%dma_wait3A_110, %dma_wait3A_111] : memref<8x128xi32, #tpu.memory_space<vmem>> -> memref<1x128xi32, #tpu.memory_space<vmem>>
      %dma_wait3A_113 = tpu.memref_squeeze %dma_wait3A_112 : memref<1x128xi32, #tpu.memory_space<vmem>> -> memref<128xi32, #tpu.memory_space<vmem>>
      %dma_wait3A_114 = arith.constant 0 : i32
      %dma_wait3A_115 = arith.constant 0 : i32
      %dma_wait3A_116 = tpu.memref_slice %arg2[%dma_wait3A_114, %dma_wait3A_115] : memref<10000x128xf32, #tpu.memory_space<hbm>> -> memref<10000x128xf32, #tpu.memory_space<hbm>>
      tpu.wait_indirect_dma semaphore(%arg10 : memref<!tpu.dma_semaphore, #tpu.memory_space<semaphore_mem>>) src(%dma_wait3A_116 : memref<10000x128xf32, #tpu.memory_space<hbm>>) dst(%arg7 : memref<128x128xf32, #tpu.memory_space<vmem>>)
      %dma_start3A_117 = arith.constant 7 : i32
      %dma_start3A_118 = arith.constant 0 : i32
      %dma_start3A_119 = tpu.memref_slice %arg6[%dma_start3A_117, %dma_start3A_118] : memref<8x128xi32, #tpu.memory_space<vmem>> -> memref<1x128xi32, #tpu.memory_space<vmem>>
      %dma_start3A_120 = tpu.memref_squeeze %dma_start3A_119 : memref<1x128xi32, #tpu.memory_space<vmem>> -> memref<128xi32, #tpu.memory_space<vmem>>
      %dma_start3A_121 = arith.constant 0 : i32
      %dma_start3A_122 = arith.constant 0 : i32
      %dma_start3A_123 = tpu.memref_slice %arg16[%dma_start3A_121, %dma_start3A_122] : memref<10008x128xf32, #tpu.memory_space<vmem_shared>> -> memref<10008x128xf32, #tpu.memory_space<vmem_shared>>
      tpu.enqueue_indirect_dma source(%arg7 : memref<128x128xf32, #tpu.memory_space<vmem>>) target(%dma_start3A_123 : memref<10008x128xf32, #tpu.memory_space<vmem_shared>>) offsets(%dma_start3A_120 : memref<128xi32, #tpu.memory_space<vmem>>) semaphore(%arg13 : memref<!tpu.dma_semaphore, #tpu.memory_space<semaphore_mem>>) {add = true}
      %dma_wait3A_124 = arith.constant 1 : i32
      %dma_wait3A_125 = arith.constant 0 : i32
      %dma_wait3A_126 = tpu.memref_slice %arg6[%dma_wait3A_124, %dma_wait3A_125] : memref<8x128xi32, #tpu.memory_space<vmem>> -> memref<1x128xi32, #tpu.memory_space<vmem>>
      %dma_wait3A_127 = tpu.memref_squeeze %dma_wait3A_126 : memref<1x128xi32, #tpu.memory_space<vmem>> -> memref<128xi32, #tpu.memory_space<vmem>>
      %dma_wait3A_128 = arith.constant 0 : i32
      %dma_wait3A_129 = arith.constant 0 : i32
      %dma_wait3A_130 = tpu.memref_slice %arg16[%dma_wait3A_128, %dma_wait3A_129] : memref<10008x128xf32, #tpu.memory_space<vmem_shared>> -> memref<10008x128xf32, #tpu.memory_space<vmem_shared>>
      tpu.wait_indirect_dma semaphore(%arg14 : memref<!tpu.dma_semaphore, #tpu.memory_space<semaphore_mem>>) src(%arg8 : memref<128x128xf32, #tpu.memory_space<vmem>>) dst(%dma_wait3A_130 : memref<10008x128xf32, #tpu.memory_space<vmem_shared>>)
      %dma_wait3A_131 = arith.constant 1 : i32
      %dma_wait3A_132 = arith.constant 0 : i32
      %dma_wait3A_133 = tpu.memref_slice %arg6[%dma_wait3A_131, %dma_wait3A_132] : memref<8x128xi32, #tpu.memory_space<vmem>> -> memref<1x128xi32, #tpu.memory_space<vmem>>
      %dma_wait3A_134 = tpu.memref_squeeze %dma_wait3A_133 : memref<1x128xi32, #tpu.memory_space<vmem>> -> memref<128xi32, #tpu.memory_space<vmem>>
      %dma_wait3A_135 = arith.constant 0 : i32
      %dma_wait3A_136 = arith.constant 0 : i32
      %dma_wait3A_137 = tpu.memref_slice %arg16[%dma_wait3A_135, %dma_wait3A_136] : memref<10008x128xf32, #tpu.memory_space<vmem_shared>> -> memref<10008x128xf32, #tpu.memory_space<vmem_shared>>
      tpu.wait_indirect_dma semaphore(%arg15 : memref<!tpu.dma_semaphore, #tpu.memory_space<semaphore_mem>>) src(%arg9 : memref<128x128xf32, #tpu.memory_space<vmem>>) dst(%dma_wait3A_137 : memref<10008x128xf32, #tpu.memory_space<vmem_shared>>)
      %dma_wait3A_138 = arith.constant 1 : i32
      %dma_wait3A_139 = arith.constant 0 : i32
      %dma_wait3A_140 = tpu.memref_slice %arg6[%dma_wait3A_138, %dma_wait3A_139] : memref<8x128xi32, #tpu.memory_space<vmem>> -> memref<1x128xi32, #tpu.memory_space<vmem>>
      %dma_wait3A_141 = tpu.memref_squeeze %dma_wait3A_140 : memref<1x128xi32, #tpu.memory_space<vmem>> -> memref<128xi32, #tpu.memory_space<vmem>>
      %dma_wait3A_142 = arith.constant 0 : i32
      %dma_wait3A_143 = arith.constant 0 : i32
      %dma_wait3A_144 = tpu.memref_slice %arg16[%dma_wait3A_142, %dma_wait3A_143] : memref<10008x128xf32, #tpu.memory_space<vmem_shared>> -> memref<10008x128xf32, #tpu.memory_space<vmem_shared>>
      tpu.wait_indirect_dma semaphore(%arg13 : memref<!tpu.dma_semaphore, #tpu.memory_space<semaphore_mem>>) src(%arg7 : memref<128x128xf32, #tpu.memory_space<vmem>>) dst(%dma_wait3A_144 : memref<10008x128xf32, #tpu.memory_space<vmem_shared>>)
    }
    %barrier3A_23 = arith.constant 0 : index
    tpu.barrier barrier_id(%barrier3A_23)
    %lt3A_24 = arith.constant 10 : i32
    %lt3A_25 = arith.cmpi slt, %arg1, %lt3A_24 : i32
    %convert_element_type3A_26 = arith.extui %lt3A_25 : i1 to i32
    %cond3A_27 = arith.constant 0 : i32
    %cond3A_28 = arith.cmpi ne, %convert_element_type3A_26, %cond3A_27 : i32
    scf.if %cond3A_28 {
      %mul3A_29 = arith.constant 1000 : i32
      %mul3A_30 = arith.muli %arg1, %mul3A_29 : i32
      %mul3A_31 = arith.constant 1000 : i32
      %mul3A_32 = arith.muli %arg1, %mul3A_31 : i32
      "tpu.region"() ({
        %run_scoped3A = tpu.sem_alloc : memref<!tpu.dma_semaphore, #tpu.memory_space<semaphore_mem>>
        %dma_start3A = arith.constant 0 : i32
        %dma_start3A_33 = tpu.memref_slice %arg5[%arg0, %mul3A_32, %dma_start3A] : memref<2x10000x128xf32, #tpu.memory_space<hbm>> -> memref<1x1000x128xf32, #tpu.memory_space<hbm>>
        %dma_start3A_34 = tpu.memref_squeeze %dma_start3A_33 : memref<1x1000x128xf32, #tpu.memory_space<hbm>> -> memref<1000x128xf32, #tpu.memory_space<hbm>>
        %dma_start3A_35 = arith.constant 0 : i32
        %dma_start3A_36 = tpu.memref_slice %arg16[%mul3A_30, %dma_start3A_35] : memref<10008x128xf32, #tpu.memory_space<vmem_shared>> -> memref<1000x128xf32, #tpu.memory_space<vmem_shared>>
        tpu.enqueue_dma source(%dma_start3A_36 : memref<1000x128xf32, #tpu.memory_space<vmem_shared>>) target(%dma_start3A_34 : memref<1000x128xf32, #tpu.memory_space<hbm>>) target_semaphore(%run_scoped3A : memref<!tpu.dma_semaphore, #tpu.memory_space<semaphore_mem>>)
        %dma_wait3A = arith.constant 0 : i32
        %dma_wait3A_37 = tpu.memref_slice %arg5[%arg0, %mul3A_32, %dma_wait3A] : memref<2x10000x128xf32, #tpu.memory_space<hbm>> -> memref<1x1000x128xf32, #tpu.memory_space<hbm>>
        %dma_wait3A_38 = tpu.memref_squeeze %dma_wait3A_37 : memref<1x1000x128xf32, #tpu.memory_space<hbm>> -> memref<1000x128xf32, #tpu.memory_space<hbm>>
        %dma_wait3A_39 = arith.constant 0 : i32
        %dma_wait3A_40 = tpu.memref_slice %arg16[%mul3A_30, %dma_wait3A_39] : memref<10008x128xf32, #tpu.memory_space<vmem_shared>> -> memref<1000x128xf32, #tpu.memory_space<vmem_shared>>
        tpu.wait_dma2 semaphore(%run_scoped3A : memref<!tpu.dma_semaphore, #tpu.memory_space<semaphore_mem>>) src(%dma_wait3A_40 : memref<1000x128xf32, #tpu.memory_space<vmem_shared>>) dst(%dma_wait3A_38 : memref<1000x128xf32, #tpu.memory_space<hbm>>)
        tpu.yield
      }) : () -> ()
    } else {
    }
    return
  }
}

#map = affine_map<(d0, d1) -> (0, 0)>
#map1 = affine_map<(d0, d1) -> (0, 0, 0)>
module attributes {stable_mosaic.version = 14 : i64} {
  func.func @_sc_degrees_body(%arg0: i32, %arg1: i32, %arg2: memref<2560x128xi32, #tpu.memory_space<hbm>>, %arg3: memref<1000x128xf32, #tpu.memory_space<hbm>>, %arg4: memref<128x128xf32, #tpu.memory_space<hbm>>, %arg5: memref<2x10000x128xf32, #tpu.memory_space<hbm>>, %arg6: memref<80x128xi32, #tpu.memory_space<vmem>>, %arg7: memref<128x128xf32, #tpu.memory_space<vmem>>, %arg8: memref<!tpu.dma_semaphore, #tpu.memory_space<semaphore_mem>>, %arg9: memref<10008x128xf32, #tpu.memory_space<vmem_shared>>) attributes {dimension_semantics = [#tpu.dimension_semantics<core_parallel>, #tpu.dimension_semantics<subcore_parallel>], iteration_bounds = array<i64: 2, 16>, scalar_prefetch = 0 : i64, scratch_operands = 4 : i64, tpu.core_type = #tpu.core_type<sc_vector_subcore>, window_params = [{transform_indices = #map}, {transform_indices = #map}, {transform_indices = #map}, {transform_indices = #map1}]} {
    %mul3A = arith.constant 16 : i32
    %mul3A_0 = arith.muli %arg0, %mul3A : i32
    %add3A = arith.addi %mul3A_0, %arg1 : i32
    %lt3A = arith.constant 10 : i32
    %lt3A_1 = arith.cmpi slt, %arg1, %lt3A : i32
    %convert_element_type3A = arith.extui %lt3A_1 : i1 to i32
    %cond3A = arith.constant 0 : i32
    %cond3A_2 = arith.cmpi ne, %convert_element_type3A, %cond3A : i32
    scf.if %cond3A_2 {
      %mul3A_16 = arith.constant 1000 : i32
      %mul3A_17 = arith.muli %arg1, %mul3A_16 : i32
      "tpu.region"() ({
        %run_scoped3A = tpu.sem_alloc : memref<!tpu.dma_semaphore, #tpu.memory_space<semaphore_mem>>
        %dma_start3A = arith.constant 0 : i32
        %dma_start3A_18 = tpu.memref_slice %arg9[%mul3A_17, %dma_start3A] : memref<10008x128xf32, #tpu.memory_space<vmem_shared>> -> memref<1000x128xf32, #tpu.memory_space<vmem_shared>>
        tpu.enqueue_dma source(%arg3 : memref<1000x128xf32, #tpu.memory_space<hbm>>) target(%dma_start3A_18 : memref<1000x128xf32, #tpu.memory_space<vmem_shared>>) target_semaphore(%run_scoped3A : memref<!tpu.dma_semaphore, #tpu.memory_space<semaphore_mem>>)
        %dma_wait3A = arith.constant 0 : i32
        %dma_wait3A_19 = tpu.memref_slice %arg9[%mul3A_17, %dma_wait3A] : memref<10008x128xf32, #tpu.memory_space<vmem_shared>> -> memref<1000x128xf32, #tpu.memory_space<vmem_shared>>
        tpu.wait_dma2 semaphore(%run_scoped3A : memref<!tpu.dma_semaphore, #tpu.memory_space<semaphore_mem>>) src(%arg3 : memref<1000x128xf32, #tpu.memory_space<hbm>>) dst(%dma_wait3A_19 : memref<1000x128xf32, #tpu.memory_space<vmem_shared>>)
        tpu.yield
      }) : () -> ()
    } else {
    }
    "tpu.region"() ({
      %run_scoped3A = tpu.sem_alloc : memref<!tpu.dma_semaphore, #tpu.memory_space<semaphore_mem>>
      tpu.enqueue_dma source(%arg4 : memref<128x128xf32, #tpu.memory_space<hbm>>) target(%arg7 : memref<128x128xf32, #tpu.memory_space<vmem>>) target_semaphore(%run_scoped3A : memref<!tpu.dma_semaphore, #tpu.memory_space<semaphore_mem>>)
      tpu.wait_dma2 semaphore(%run_scoped3A : memref<!tpu.dma_semaphore, #tpu.memory_space<semaphore_mem>>) src(%arg4 : memref<128x128xf32, #tpu.memory_space<hbm>>) dst(%arg7 : memref<128x128xf32, #tpu.memory_space<vmem>>)
      tpu.yield
    }) : () -> ()
    %mul3A_3 = arith.constant 80 : i32
    %mul3A_4 = arith.muli %add3A, %mul3A_3 : i32
    "tpu.region"() ({
      %run_scoped3A = tpu.sem_alloc : memref<!tpu.dma_semaphore, #tpu.memory_space<semaphore_mem>>
      %dma_start3A = arith.constant 0 : i32
      %dma_start3A_16 = tpu.memref_slice %arg2[%mul3A_4, %dma_start3A] : memref<2560x128xi32, #tpu.memory_space<hbm>> -> memref<80x128xi32, #tpu.memory_space<hbm>>
      %dma_start3A_17 = arith.constant 0 : i32
      %dma_start3A_18 = tpu.memref_slice %arg2[%mul3A_4, %dma_start3A_17] : memref<2560x128xi32, #tpu.memory_space<hbm>> -> memref<80x128xi32, #tpu.memory_space<hbm>>
      tpu.enqueue_dma source(%dma_start3A_18 : memref<80x128xi32, #tpu.memory_space<hbm>>) target(%arg6 : memref<80x128xi32, #tpu.memory_space<vmem>>) target_semaphore(%run_scoped3A : memref<!tpu.dma_semaphore, #tpu.memory_space<semaphore_mem>>)
      %dma_wait3A = arith.constant 0 : i32
      %dma_wait3A_19 = tpu.memref_slice %arg2[%mul3A_4, %dma_wait3A] : memref<2560x128xi32, #tpu.memory_space<hbm>> -> memref<80x128xi32, #tpu.memory_space<hbm>>
      %dma_wait3A_20 = arith.constant 0 : i32
      %dma_wait3A_21 = tpu.memref_slice %arg2[%mul3A_4, %dma_wait3A_20] : memref<2560x128xi32, #tpu.memory_space<hbm>> -> memref<80x128xi32, #tpu.memory_space<hbm>>
      tpu.wait_dma2 semaphore(%run_scoped3A : memref<!tpu.dma_semaphore, #tpu.memory_space<semaphore_mem>>) src(%dma_wait3A_21 : memref<80x128xi32, #tpu.memory_space<hbm>>) dst(%arg6 : memref<80x128xi32, #tpu.memory_space<vmem>>)
      tpu.yield
    }) : () -> ()
    %barrier3A = arith.constant 0 : index
    tpu.barrier barrier_id(%barrier3A)
    %scan3A = arith.constant 0 : i32
    %scan3A_5 = arith.constant 0 : i32
    %scan3A_6 = arith.constant 80 : i32
    %scan3A_7 = arith.addi %scan3A_5, %scan3A_6 : i32
    %scan3A_8 = arith.constant 1 : i32
    scf.for %scan3A_16 = %scan3A_5 to %scan3A_7 step %scan3A_8  : i32 {
      "tpu.region"() ({
        %run_scoped3A = tpu.sem_alloc : memref<!tpu.dma_semaphore, #tpu.memory_space<semaphore_mem>>
        %dma_start3A = arith.constant 0 : i32
        %dma_start3A_17 = tpu.memref_slice %arg6[%scan3A_16, %dma_start3A] : memref<80x128xi32, #tpu.memory_space<vmem>> -> memref<1x128xi32, #tpu.memory_space<vmem>>
        %dma_start3A_18 = tpu.memref_squeeze %dma_start3A_17 : memref<1x128xi32, #tpu.memory_space<vmem>> -> memref<128xi32, #tpu.memory_space<vmem>>
        %dma_start3A_19 = arith.constant 0 : i32
        %dma_start3A_20 = arith.constant 0 : i32
        %dma_start3A_21 = tpu.memref_slice %arg9[%dma_start3A_19, %dma_start3A_20] : memref<10008x128xf32, #tpu.memory_space<vmem_shared>> -> memref<10008x128xf32, #tpu.memory_space<vmem_shared>>
        tpu.enqueue_indirect_dma source(%arg7 : memref<128x128xf32, #tpu.memory_space<vmem>>) target(%dma_start3A_21 : memref<10008x128xf32, #tpu.memory_space<vmem_shared>>) offsets(%dma_start3A_18 : memref<128xi32, #tpu.memory_space<vmem>>) semaphore(%run_scoped3A : memref<!tpu.dma_semaphore, #tpu.memory_space<semaphore_mem>>) {add = true}
        %dma_wait3A = arith.constant 0 : i32
        %dma_wait3A_22 = tpu.memref_slice %arg6[%scan3A_16, %dma_wait3A] : memref<80x128xi32, #tpu.memory_space<vmem>> -> memref<1x128xi32, #tpu.memory_space<vmem>>
        %dma_wait3A_23 = tpu.memref_squeeze %dma_wait3A_22 : memref<1x128xi32, #tpu.memory_space<vmem>> -> memref<128xi32, #tpu.memory_space<vmem>>
        %dma_wait3A_24 = arith.constant 0 : i32
        %dma_wait3A_25 = arith.constant 0 : i32
        %dma_wait3A_26 = tpu.memref_slice %arg9[%dma_wait3A_24, %dma_wait3A_25] : memref<10008x128xf32, #tpu.memory_space<vmem_shared>> -> memref<10008x128xf32, #tpu.memory_space<vmem_shared>>
        tpu.wait_indirect_dma semaphore(%run_scoped3A : memref<!tpu.dma_semaphore, #tpu.memory_space<semaphore_mem>>) src(%arg7 : memref<128x128xf32, #tpu.memory_space<vmem>>) dst(%dma_wait3A_26 : memref<10008x128xf32, #tpu.memory_space<vmem_shared>>)
        tpu.yield
      }) : () -> ()
    }
    %scan3A_9 = arith.constant 80 : i32
    %barrier3A_10 = arith.constant 0 : index
    tpu.barrier barrier_id(%barrier3A_10)
    %lt3A_11 = arith.constant 10 : i32
    %lt3A_12 = arith.cmpi slt, %arg1, %lt3A_11 : i32
    %convert_element_type3A_13 = arith.extui %lt3A_12 : i1 to i32
    %cond3A_14 = arith.constant 0 : i32
    %cond3A_15 = arith.cmpi ne, %convert_element_type3A_13, %cond3A_14 : i32
    scf.if %cond3A_15 {
      %mul3A_16 = arith.constant 1000 : i32
      %mul3A_17 = arith.muli %arg1, %mul3A_16 : i32
      %mul3A_18 = arith.constant 1000 : i32
      %mul3A_19 = arith.muli %arg1, %mul3A_18 : i32
      "tpu.region"() ({
        %run_scoped3A = tpu.sem_alloc : memref<!tpu.dma_semaphore, #tpu.memory_space<semaphore_mem>>
        %dma_start3A = arith.constant 0 : i32
        %dma_start3A_20 = tpu.memref_slice %arg5[%arg0, %mul3A_19, %dma_start3A] : memref<2x10000x128xf32, #tpu.memory_space<hbm>> -> memref<1x1000x128xf32, #tpu.memory_space<hbm>>
        %dma_start3A_21 = tpu.memref_squeeze %dma_start3A_20 : memref<1x1000x128xf32, #tpu.memory_space<hbm>> -> memref<1000x128xf32, #tpu.memory_space<hbm>>
        %dma_start3A_22 = arith.constant 0 : i32
        %dma_start3A_23 = tpu.memref_slice %arg9[%mul3A_17, %dma_start3A_22] : memref<10008x128xf32, #tpu.memory_space<vmem_shared>> -> memref<1000x128xf32, #tpu.memory_space<vmem_shared>>
        tpu.enqueue_dma source(%dma_start3A_23 : memref<1000x128xf32, #tpu.memory_space<vmem_shared>>) target(%dma_start3A_21 : memref<1000x128xf32, #tpu.memory_space<hbm>>) target_semaphore(%run_scoped3A : memref<!tpu.dma_semaphore, #tpu.memory_space<semaphore_mem>>)
        %dma_wait3A = arith.constant 0 : i32
        %dma_wait3A_24 = tpu.memref_slice %arg5[%arg0, %mul3A_19, %dma_wait3A] : memref<2x10000x128xf32, #tpu.memory_space<hbm>> -> memref<1x1000x128xf32, #tpu.memory_space<hbm>>
        %dma_wait3A_25 = tpu.memref_squeeze %dma_wait3A_24 : memref<1x1000x128xf32, #tpu.memory_space<hbm>> -> memref<1000x128xf32, #tpu.memory_space<hbm>>
        %dma_wait3A_26 = arith.constant 0 : i32
        %dma_wait3A_27 = tpu.memref_slice %arg9[%mul3A_17, %dma_wait3A_26] : memref<10008x128xf32, #tpu.memory_space<vmem_shared>> -> memref<1000x128xf32, #tpu.memory_space<vmem_shared>>
        tpu.wait_dma2 semaphore(%run_scoped3A : memref<!tpu.dma_semaphore, #tpu.memory_space<semaphore_mem>>) src(%dma_wait3A_27 : memref<1000x128xf32, #tpu.memory_space<vmem_shared>>) dst(%dma_wait3A_25 : memref<1000x128xf32, #tpu.memory_space<hbm>>)
        tpu.yield
      }) : () -> ()
    } else {
    }
    return
  }
}

module attributes {stable_mosaic.version = 14 : i64} {
  func.func @_tc_matmul_body(%arg0: i32, %arg1: memref<1000x128xf32, #tpu.memory_space<vmem>>, %arg2: memref<128x128xf32, #tpu.memory_space<vmem>>, %arg3: memref<1000x128xf32, #tpu.memory_space<vmem>>) attributes {dimension_semantics = [#tpu.dimension_semantics<arbitrary>], iteration_bounds = array<i64: 10>, scalar_prefetch = 0 : i64, scratch_operands = 0 : i64, tpu.core_type = #tpu.core_type<tc>, window_params = [{transform_indices = @transform_0, window_bounds = array<i64: 1000, 128>}, {pipeline_mode = #tpu.pipeline_mode<synchronous>, transform_indices = @transform_1, window_bounds = array<i64: 128, 128>}, {transform_indices = @transform_2, window_bounds = array<i64: 1000, 128>}]} {
    %get3A = arith.constant 0 : index
    %get3A_0 = arith.constant 0 : index
    %get3A_1 = vector.load %arg1[%get3A, %get3A_0] : memref<1000x128xf32, #tpu.memory_space<vmem>>, vector<1000x128xf32>
    %get3A_2 = arith.constant 0 : index
    %get3A_3 = arith.constant 0 : index
    %get3A_4 = vector.load %arg2[%get3A_2, %get3A_3] : memref<128x128xf32, #tpu.memory_space<vmem>>, vector<128x128xf32>
    %dot_general3A = arith.constant dense<0.000000e+00> : vector<1000x128xf32>
    %dot_general3A_5 = tpu.matmul %get3A_1, %get3A_4, %dot_general3A {dimension_numbers = #tpu.dot_dimension_numbers<[1], [0], [0], [1], [0, 0, 1, 1], [], []>, precision = #tpu.contract_precision<fp32>, transpose_lhs_hint = false} : vector<1000x128xf32>, vector<128x128xf32>, vector<1000x128xf32> -> vector<1000x128xf32>
    %swap3A = arith.constant 0 : index
    %swap3A_6 = arith.constant 0 : index
    %swap3A_7 = vector.load %arg3[%swap3A, %swap3A_6] : memref<1000x128xf32, #tpu.memory_space<vmem>>, vector<1000x128xf32>
    tpu.vector_store %arg3[%swap3A, %swap3A_6], %dot_general3A_5 {strides = array<i32>} : memref<1000x128xf32, #tpu.memory_space<vmem>>, vector<1000x128xf32>,
    return
  }
  func.func @transform_0(%arg0: i32) -> (i32, i32) {
    %c0_i32 = arith.constant 0 : i32
    %c0_i32_0 = arith.constant 0 : i32
    return %arg0, %c0_i32 : i32, i32
  }
  func.func @transform_1(%arg0: i32) -> (i32, i32) {
    %c0_i32 = arith.constant 0 : i32
    %c0_i32_0 = arith.constant 0 : i32
    %c0_i32_1 = arith.constant 0 : i32
    return %c0_i32, %c0_i32_0 : i32, i32
  }
  func.func @transform_2(%arg0: i32) -> (i32, i32) {
    %c0_i32 = arith.constant 0 : i32
    %c0_i32_0 = arith.constant 0 : i32
    return %arg0, %c0_i32 : i32, i32
  }
}

module attributes {stable_mosaic.version = 14 : i64} {
  func.func @_tc_scale_body(%arg0: i32, %arg1: memref<1000x128xf32, #tpu.memory_space<vmem>>, %arg2: memref<2x1000x128xf32, #tpu.memory_space<vmem>>, %arg3: memref<1000x128xf32, #tpu.memory_space<vmem>>) attributes {dimension_semantics = [#tpu.dimension_semantics<arbitrary>], iteration_bounds = array<i64: 10>, scalar_prefetch = 0 : i64, scratch_operands = 0 : i64, tpu.core_type = #tpu.core_type<tc>, window_params = [{transform_indices = @transform_0, window_bounds = array<i64: 1000, 128>}, {transform_indices = @transform_1, window_bounds = array<i64: 2, 1000, 128>}, {transform_indices = @transform_2, window_bounds = array<i64: 1000, 128>}]} {
    %get3A = arith.constant 0 : index
    %get3A_0 = arith.constant 0 : index
    %get3A_1 = arith.constant 0 : index
    %get3A_2 = vector.load %arg2[%get3A, %get3A_0, %get3A_1] : memref<2x1000x128xf32, #tpu.memory_space<vmem>>, vector<2x1000x128xf32>
    %slice3A = vector.extract_strided_slice %get3A_2 {offsets = [0, 0, 0], sizes = [1, 1000, 128], strides = [1, 1, 1]} : vector<2x1000x128xf32> to vector<1x1000x128xf32>
    %squeeze3A = vector.shape_cast %slice3A : vector<1x1000x128xf32> to vector<1000x128xf32>
    %slice3A_3 = vector.extract_strided_slice %get3A_2 {offsets = [1, 0, 0], sizes = [1, 1000, 128], strides = [1, 1, 1]} : vector<2x1000x128xf32> to vector<1x1000x128xf32>
    %squeeze3A_4 = vector.shape_cast %slice3A_3 : vector<1x1000x128xf32> to vector<1000x128xf32>
    %add3A = arith.addf %squeeze3A, %squeeze3A_4 : vector<1000x128xf32>
    %reduce_sum3A = arith.constant dense<0.000000e+00> : vector<1000xf32>
    %reduce_sum3A_5 = vector.multi_reduction <add>, %add3A, %reduce_sum3A [1] : vector<1000x128xf32> to vector<1000xf32>
    %mul3A = arith.constant 7.812500e-03 : f32
    %mul3A_6 = vector.broadcast %mul3A : f32 to vector<1000xf32>
    %mul3A_7 = arith.mulf %reduce_sum3A_5, %mul3A_6 : vector<1000xf32>
    %max3A = arith.constant 1.000000e+00 : f32
    %max3A_8 = vector.broadcast %max3A : f32 to vector<1000xf32>
    %max3A_9 = arith.maximumf %mul3A_7, %max3A_8 : vector<1000xf32>
    %rsqrt3A = math.rsqrt %max3A_9 : vector<1000xf32>
    %get3A_10 = arith.constant 0 : index
    %get3A_11 = arith.constant 0 : index
    %get3A_12 = vector.load %arg1[%get3A_10, %get3A_11] : memref<1000x128xf32, #tpu.memory_space<vmem>>, vector<1000x128xf32>
    %broadcast_in_dim3A = vector.shape_cast %rsqrt3A : vector<1000xf32> to vector<1000x1xf32>
    %mul3A_13 = vector.broadcast %broadcast_in_dim3A : vector<1000x1xf32> to vector<1000x128xf32>
    %mul3A_14 = arith.mulf %get3A_12, %mul3A_13 : vector<1000x128xf32>
    %swap3A = arith.constant 0 : index
    %swap3A_15 = arith.constant 0 : index
    %swap3A_16 = vector.load %arg3[%swap3A, %swap3A_15] : memref<1000x128xf32, #tpu.memory_space<vmem>>, vector<1000x128xf32>
    tpu.vector_store %arg3[%swap3A, %swap3A_15], %mul3A_14 {strides = array<i32>} : memref<1000x128xf32, #tpu.memory_space<vmem>>, vector<1000x128xf32>,
    return
  }
  func.func @transform_0(%arg0: i32) -> (i32, i32) {
    %c0_i32 = arith.constant 0 : i32
    %c0_i32_0 = arith.constant 0 : i32
    return %arg0, %c0_i32 : i32, i32
  }
  func.func @transform_1(%arg0: i32) -> (i32, i32, i32) {
    %c0_i32 = arith.constant 0 : i32
    %c0_i32_0 = arith.constant 0 : i32
    %c0_i32_1 = arith.constant 0 : i32
    return %c0_i32, %arg0, %c0_i32_0 : i32, i32, i32
  }
  func.func @transform_2(%arg0: i32) -> (i32, i32) {
    %c0_i32 = arith.constant 0 : i32
    %c0_i32_0 = arith.constant 0 : i32
    return %arg0, %c0_i32 : i32, i32
  }
}

module attributes {stable_mosaic.version = 14 : i64} {
  func.func @_tc_epilogue_body(%arg0: memref<2x10000x128xf32, #tpu.memory_space<vmem>>, %arg1: memref<2x10000x128xf32, #tpu.memory_space<vmem>>, %arg2: memref<1x128xf32, #tpu.memory_space<vmem>>, %arg3: memref<1x128xf32, #tpu.memory_space<vmem>>, %arg4: memref<1x128xf32, #tpu.memory_space<vmem>>, %arg5: memref<10000x128xf32, #tpu.memory_space<vmem>>, %arg6: memref<10000x128xf32, #tpu.memory_space<vmem>>) attributes {dimension_semantics = [], scalar_prefetch = 0 : i64, scratch_operands = 0 : i64, tpu.core_type = #tpu.core_type<tc>} {
    %get3A = arith.constant 0 : index
    %get3A_0 = arith.constant 0 : index
    %get3A_1 = arith.constant 0 : index
    %get3A_2 = vector.load %arg1[%get3A, %get3A_0, %get3A_1] : memref<2x10000x128xf32, #tpu.memory_space<vmem>>, vector<2x10000x128xf32>
    %slice3A = vector.extract_strided_slice %get3A_2 {offsets = [0, 0, 0], sizes = [1, 10000, 128], strides = [1, 1, 1]} : vector<2x10000x128xf32> to vector<1x10000x128xf32>
    %squeeze3A = vector.shape_cast %slice3A : vector<1x10000x128xf32> to vector<10000x128xf32>
    %slice3A_3 = vector.extract_strided_slice %get3A_2 {offsets = [1, 0, 0], sizes = [1, 10000, 128], strides = [1, 1, 1]} : vector<2x10000x128xf32> to vector<1x10000x128xf32>
    %squeeze3A_4 = vector.shape_cast %slice3A_3 : vector<1x10000x128xf32> to vector<10000x128xf32>
    %add3A = arith.addf %squeeze3A, %squeeze3A_4 : vector<10000x128xf32>
    %reduce_sum3A = arith.constant dense<0.000000e+00> : vector<10000xf32>
    %reduce_sum3A_5 = vector.multi_reduction <add>, %add3A, %reduce_sum3A [1] : vector<10000x128xf32> to vector<10000xf32>
    %mul3A = arith.constant 7.812500e-03 : f32
    %mul3A_6 = vector.broadcast %mul3A : f32 to vector<10000xf32>
    %mul3A_7 = arith.mulf %reduce_sum3A_5, %mul3A_6 : vector<10000xf32>
    %max3A = arith.constant 1.000000e+00 : f32
    %max3A_8 = vector.broadcast %max3A : f32 to vector<10000xf32>
    %max3A_9 = arith.maximumf %mul3A_7, %max3A_8 : vector<10000xf32>
    %rsqrt3A = math.rsqrt %max3A_9 : vector<10000xf32>
    %get3A_10 = arith.constant 0 : index
    %get3A_11 = arith.constant 0 : index
    %get3A_12 = arith.constant 0 : index
    %get3A_13 = vector.load %arg0[%get3A_10, %get3A_11, %get3A_12] : memref<2x10000x128xf32, #tpu.memory_space<vmem>>, vector<1x10000x128xf32>
    %get3A_14 = vector.shape_cast %get3A_13 : vector<1x10000x128xf32> to vector<10000x128xf32>
    %get3A_15 = arith.constant 1 : index
    %get3A_16 = arith.constant 0 : index
    %get3A_17 = arith.constant 0 : index
    %get3A_18 = vector.load %arg0[%get3A_15, %get3A_16, %get3A_17] : memref<2x10000x128xf32, #tpu.memory_space<vmem>>, vector<1x10000x128xf32>
    %get3A_19 = vector.shape_cast %get3A_18 : vector<1x10000x128xf32> to vector<10000x128xf32>
    %add3A_20 = arith.addf %get3A_14, %get3A_19 : vector<10000x128xf32>
    %get3A_21 = arith.constant 0 : index
    %get3A_22 = arith.constant 0 : index
    %get3A_23 = vector.load %arg2[%get3A_21, %get3A_22] : memref<1x128xf32, #tpu.memory_space<vmem>>, vector<1x128xf32>
    %add3A_24 = vector.broadcast %get3A_23 : vector<1x128xf32> to vector<10000x128xf32>
    %add3A_25 = arith.addf %add3A_20, %add3A_24 : vector<10000x128xf32>
    %broadcast_in_dim3A = vector.shape_cast %rsqrt3A : vector<10000xf32> to vector<10000x1xf32>
    %mul3A_26 = vector.broadcast %broadcast_in_dim3A : vector<10000x1xf32> to vector<10000x128xf32>
    %mul3A_27 = arith.mulf %add3A_25, %mul3A_26 : vector<10000x128xf32>
    %reduce_sum3A_28 = arith.constant dense<0.000000e+00> : vector<128xf32>
    %reduce_sum3A_29 = vector.multi_reduction <add>, %mul3A_27, %reduce_sum3A_28 [0] : vector<10000x128xf32> to vector<128xf32>
    %broadcast_in_dim3A_30 = vector.shape_cast %reduce_sum3A_29 : vector<128xf32> to vector<1x128xf32>
    %div3A = arith.constant 1.000000e+04 : f32
    %div3A_31 = vector.broadcast %div3A : f32 to vector<1x128xf32>
    %div3A_32 = arith.divf %broadcast_in_dim3A_30, %div3A_31 : vector<1x128xf32>
    %sub3A = vector.broadcast %div3A_32 : vector<1x128xf32> to vector<10000x128xf32>
    %sub3A_33 = arith.subf %mul3A_27, %sub3A : vector<10000x128xf32>
    %integer_pow3A = arith.mulf %sub3A_33, %sub3A_33 : vector<10000x128xf32>
    %reduce_sum3A_34 = arith.constant dense<0.000000e+00> : vector<128xf32>
    %reduce_sum3A_35 = vector.multi_reduction <add>, %integer_pow3A, %reduce_sum3A_34 [0] : vector<10000x128xf32> to vector<128xf32>
    %broadcast_in_dim3A_36 = vector.shape_cast %reduce_sum3A_35 : vector<128xf32> to vector<1x128xf32>
    %div3A_37 = arith.constant 1.000000e+04 : f32
    %div3A_38 = vector.broadcast %div3A_37 : f32 to vector<1x128xf32>
    %div3A_39 = arith.divf %broadcast_in_dim3A_36, %div3A_38 : vector<1x128xf32>
    %sub3A_40 = vector.broadcast %div3A_32 : vector<1x128xf32> to vector<10000x128xf32>
    %sub3A_41 = arith.subf %mul3A_27, %sub3A_40 : vector<10000x128xf32>
    %add3A_42 = arith.constant 9.99999974E-6 : f32
    %add3A_43 = vector.broadcast %add3A_42 : f32 to vector<1x128xf32>
    %add3A_44 = arith.addf %div3A_39, %add3A_43 : vector<1x128xf32>
    %rsqrt3A_45 = math.rsqrt %add3A_44 : vector<1x128xf32>
    %mul3A_46 = vector.broadcast %rsqrt3A_45 : vector<1x128xf32> to vector<10000x128xf32>
    %mul3A_47 = arith.mulf %sub3A_41, %mul3A_46 : vector<10000x128xf32>
    %get3A_48 = arith.constant 0 : index
    %get3A_49 = arith.constant 0 : index
    %get3A_50 = vector.load %arg3[%get3A_48, %get3A_49] : memref<1x128xf32, #tpu.memory_space<vmem>>, vector<1x128xf32>
    %mul3A_51 = vector.broadcast %get3A_50 : vector<1x128xf32> to vector<10000x128xf32>
    %mul3A_52 = arith.mulf %mul3A_47, %mul3A_51 : vector<10000x128xf32>
    %get3A_53 = arith.constant 0 : index
    %get3A_54 = arith.constant 0 : index
    %get3A_55 = vector.load %arg4[%get3A_53, %get3A_54] : memref<1x128xf32, #tpu.memory_space<vmem>>, vector<1x128xf32>
    %add3A_56 = vector.broadcast %get3A_55 : vector<1x128xf32> to vector<10000x128xf32>
    %add3A_57 = arith.addf %mul3A_52, %add3A_56 : vector<10000x128xf32>
    %get3A_58 = arith.constant 0 : index
    %get3A_59 = arith.constant 0 : index
    %get3A_60 = vector.load %arg5[%get3A_58, %get3A_59] : memref<10000x128xf32, #tpu.memory_space<vmem>>, vector<10000x128xf32>
    %max3A_61 = arith.constant 0.000000e+00 : f32
    %max3A_62 = vector.broadcast %max3A_61 : f32 to vector<10000x128xf32>
    %max3A_63 = arith.maximumf %add3A_57, %max3A_62 : vector<10000x128xf32>
    %add3A_64 = arith.addf %get3A_60, %max3A_63 : vector<10000x128xf32>
    %swap3A = arith.constant 0 : index
    %swap3A_65 = arith.constant 0 : index
    %swap3A_66 = vector.load %arg6[%swap3A, %swap3A_65] : memref<10000x128xf32, #tpu.memory_space<vmem>>, vector<10000x128xf32>
    tpu.vector_store %arg6[%swap3A, %swap3A_65], %add3A_64 {strides = array<i32>} : memref<10000x128xf32, #tpu.memory_space<vmem>>, vector<10000x128xf32>,
    return
  }
}

</mosaic_0001>

<sc_bundles>
// kernel: kernel.10.cloned.1.call-start
scs
__scs_entry_jumppad:
0x0: {  	(pc) =	sbr.rel $0x88, $3  }
0x1: {  	(tag) =	ssettag $0x0;
	lr =	simm.s32 $0x1  }
0x2: {  	[smem:$0x3F9B] =	sst lr;
	_ =	strace $0xD0000000  }
0x3: {  	_ = 	snop  }
0x4: {  	_ = 	snop  }
0x5: {  	_ = 	snop  }
0x6: {  	_ = 	snop  }
0x7: {  	_ = 	snop  }
__scs_overlays_trampoline_lowered:
0x8: {  	[smem:$0x3FAA] =	sst s0  }
0x9: {  	[smem:$0x3FAB] =	sst s1  }
0xa: {  	[smem:$0x3FAC] =	sst s2  }
0xb: {  	[smem:$0x3FAD] =	sst s3  }
0xc: {  	[smem:$0x3FAE] =	sst s4  }
0xd: {  	[smem:$0x3FAF] =	sst s5  }
0xe: {  	[smem:$0x3FB0] =	sst s6  }
0xf: {  	[smem:$0x3FB1] =	sst s7  }
0x10: {  	[smem:$0x3FB2] =	sst s8  }
0x11: {  	[smem:$0x3FB3] =	sst s9;
	s0 =	simm.s32 @!p0 $0x0  }
0x12: {  	s1 =	sld [smem:$0x3F99];
	s0 =	simm.s32 @p0 $0x1  }
0x13: {  	[smem:$0x3FB4] =	sst s0;
	s0 =	simm.s32 @!p1 $0x0  }
0x14: {  	s2 =	sld [smem:$0x3F98];
	s0 =	simm.s32 @p1 $0x1  }
0x15: {  	[smem:$0x3FB5] =	sst s0;
	s0 =	simm.s32 @!p2 $0x0  }
0x16: {  	s3 =	sld [smem:$0x3FDB];
	s0 =	simm.s32 @p2 $0x1  }
0x17: {  	s4 =	simm.s32 $0x1BF5;
	[smem:$0x3FB7] =	sst s0  }
0x18: {  	s0 =	sld [smem:$0x3F9A];
	_ =	swait.ge [sflag:s4], $0x0  }
0x19: {  	s7 =	sld [smem:$0x3F9B]  }
0x1a: {  	s8 =	sadd.s32 $0xFFFFE003, lr  }
0x1b: {  	s9 =	sadd.s32 $0xFFFFFEF7, lr;
	s5 =	simm.s32 $0xFFFFFFFF;
	p2 =	slt.u32 s8, $0xFFFFF086  }
0x1c: {  	p1 =	slt.u32 s9, $0xF7A;
	s5 =	simm.s32 @!p2 $0x0  }
0x1d: {  	s5 =	simm.s32 @p1 $0x1;
	p0 =	seq.s32 s7, s2  }
0x1e: {  	s7 =	smul.u32 @!p0 $0xF7A, s2;
	p2 =	seq.s32 @!p0 s5, $0x0  }
0x1f: {  	s9 =	smul.u32 $0xF7A, s1;
	s8 =	simm.s32 @!p0 $0x1BF5;
	p2 =	por !p2, p0  }
0x20: {  	[sflag:s8] =	ssyncset.s32 @!p0 $0xFFFFF086;
	s6 =	sadd.s32 @!p0 s3, s7;
	s7 =	simm.s32 @!p0 $0x108  }
0x21: {  	s3 =	sadd.s32 s3, s9;
	s6 =	sadd.s32 @!p0 $0x88, s6;
	s7 =	simm.s32 @p2 $0x1082  }
0x22: {  	[simem:s7], [sflag:s8] =	dma.local @!p0 [hbm:s6], $0xF7A  }
0x23: {  	s9 =	sor.u32 $0xD0000000, s2;
	s6 =	simm.s32 $0x108;
	_ =	swait.ge @!p0 [sflag:s8], $0x0  }
0x24: {  	s3 =	sadd.s32 $0x88, s3;
	s6 =	simm.s32 @!p1 $0x1082;
	[sflag:s4] =	ssyncset.s32 $0xFFFFF086  }
0x25: {  	[simem:s6], [sflag:s4] =	dma.local [hbm:s3], $0xF7A  }
0x26: {  	[smem:$0x3F9B] =	sst s1;
	(tag) =	ssettag s2;
	_ =	strace s9  }
0x27: {  	s1 =	sld [smem:$0x3FAB]  }
0x28: {  	s2 =	sld [smem:$0x3FAC]  }
0x29: {  	s4 =	sld [smem:$0x3FAE]  }
0x2a: {  	p0 =	seq.s32 s5, $0x0;
	s5 =	sld [smem:$0x3FAF]  }
0x2b: {  	s6 =	sld [smem:$0x3FB0]  }
0x2c: {  	s7 =	sld [smem:$0x3FB1]  }
0x2d: {  	s3 =	simm.s32 $0x108;
	s8 =	sld [smem:$0x3FB2]  }
0x2e: {  	s3 =	simm.s32 @!p0 $0x1082;
	s9 =	sld [smem:$0x3FB3]  }
0x2f: {  	lr =	sadd.s32 s0, s3;
	s0 =	sld [smem:$0x3FAA]  }
0x30: {  	s3 =	sld [smem:$0x3FAD]  }
0x31: {  	[smem:$0x3FB6] =	sst s10  }
0x32: {  	s10 =	sld [smem:$0x3FB4];
	_ =	sdelay $0x3  }
0x33: {  	p0 =	seq.s32 s10, $0x1;
	s10 =	sld [smem:$0x3FB6];
	_ =	sdelay $0x3  }
0x34: {  	[smem:$0x3FB6] =	sst s10  }
0x35: {  	s10 =	sld [smem:$0x3FB5];
	_ =	sdelay $0x3  }
0x36: {  	p1 =	seq.s32 s10, $0x1;
	s10 =	sld [smem:$0x3FB6];
	_ =	sdelay $0x3  }
0x37: {  	[smem:$0x3FB6] =	sst s10  }
0x38: {  	s10 =	sld [smem:$0x3FB7]  }
0x39: {  	_ = 	snop;
	(pc) =	sbr.ind lr, $3  }
0x3a: {  	_ = 	snop  }
0x3b: {  	_ = 	snop  }
0x3c: {  	p2 =	seq.s32 s10, $0x1;
	s10 =	sld [smem:$0x3FB6]  }
0x3d: {  	_ =	shalt  }
0x3e: {  	_ =	shalt  }
0x3f: {  	_ =	shalt  }
0x40: {  	_ =	shalt  }
0x41: {  	_ =	shalt  }
0x42: {  	_ =	shalt  }
0x43: {  	_ =	shalt  }
0x44: {  	_ =	shalt  }
0x45: {  	_ =	shalt  }
0x46: {  	_ =	shalt  }
0x47: {  	_ =	shalt  }
0x48: {  	_ =	shalt  }
0x49: {  	_ =	shalt  }
0x4a: {  	_ =	shalt  }
0x4b: {  	_ =	shalt  }
0x4c: {  	_ =	shalt  }
0x4d: {  	_ =	shalt  }
0x4e: {  	_ =	shalt  }
0x4f: {  	_ =	shalt  }
0x50: {  	_ =	shalt  }
0x51: {  	_ =	shalt  }
0x52: {  	_ =	shalt  }
0x53: {  	_ =	shalt  }
0x54: {  	_ =	shalt  }
0x55: {  	_ =	shalt  }
0x56: {  	_ =	shalt  }
0x57: {  	_ =	shalt  }
0x58: {  	_ =	shalt  }
0x59: {  	_ =	shalt  }
0x5a: {  	_ =	shalt  }
0x5b: {  	_ =	shalt  }
0x5c: {  	_ =	shalt  }
0x5d: {  	_ =	shalt  }
0x5e: {  	_ =	shalt  }
0x5f: {  	_ =	shalt  }
0x60: {  	_ =	shalt  }
0x61: {  	_ =	shalt  }
0x62: {  	_ =	shalt  }
0x63: {  	_ =	shalt  }
0x64: {  	_ =	shalt  }
0x65: {  	_ =	shalt  }
0x66: {  	_ =	shalt  }
0x67: {  	_ =	shalt  }
0x68: {  	_ =	shalt  }
0x69: {  	_ =	shalt  }
0x6a: {  	_ =	shalt  }
0x6b: {  	_ =	shalt  }
0x6c: {  	_ =	shalt  }
0x6d: {  	_ =	shalt  }
0x6e: {  	_ =	shalt  }
0x6f: {  	_ =	shalt  }
0x70: {  	_ =	shalt  }
0x71: {  	_ =	shalt  }
0x72: {  	_ =	shalt  }
0x73: {  	_ =	shalt  }
0x74: {  	_ =	shalt  }
0x75: {  	_ =	shalt  }
0x76: {  	_ =	shalt  }
0x77: {  	_ =	shalt  }
0x78: {  	_ =	shalt  }
0x79: {  	_ =	shalt  }
0x7a: {  	_ =	shalt  }
0x7b: {  	_ =	shalt  }
0x7c: {  	_ =	shalt  }
0x7d: {  	_ =	shalt  }
0x7e: {  	_ =	shalt  }
0x7f: {  	_ =	shalt  }
0x80: {  	_ =	shalt  }
0x81: {  	_ =	shalt  }
0x82: {  	_ =	shalt  }
0x83: {  	_ =	shalt  }
0x84: {  	_ =	shalt  }
0x85: {  	_ =	shalt  }
0x86: {  	_ =	shalt  }
0x87: {  	_ =	shalt  }
.Lfunc_end0:
.L_simem_size_0:
called_computation.1_lowered:
.L_overlay_start_0:
0x88: {  	s2 =	sld [smem:$0x3FD9]  }
0x89: {  	s3 =	sld [smem:$0x3FFE];
	_ =	sdelay $0x1  }
0x8a: {  	s1 =	srdreg.scid  }
0x8b: {  	s0 =	sand.u32 $0x1, s1  }
0x8c: {  	s17 =	sshll.u32 s0, $0xA;
	s2 =	sadd.s32 s3, s2  }
0x8d: {  	s2 =	sadd.s32 s2, s17  }
0x8e: {  	[smem:$0x3FC2] =	sst s2  }
0x8f: {  	_ = 	snop  }
0x90: {  	s2 =	sld [smem:$0x3FD0];
	(tm) =	ssettm $0x1  }
0x91: {  	s18 =	sld [smem:$0x3FFB];
	_ =	sdelay $0x3  }
0x92: {  	_ =	strace s18  }
0x93: {  	s3 =	sld [smem:$0x3FFC];
	_ =	sdelay $0x3  }
0x94: {  	_ =	strace s3  }
0x95: {  	s3 =	sld [smem:$0x3FFD];
	_ =	sdelay $0x3  }
0x96: {  	_ =	strace s3  }
0x97: {  	_ =	strace $0x8FFFFFFF  }
0x98: {  	s19 =	sld [smem:$0x3FDB];
	_ =	sdelay $0x1  }
0x99: {  	s4 =	simm.s32 $_scs_section_size  }
0x9a: {  	s5 =	simm.s32 $_size__tile_overlayer_lowered;
	s6 =	simm.s32 $_tile_overlayer_lowered  }
0x9b: {  	s22 =	simm.s32 $0x1BFF;
	s21 =	sshll.u32 s6, $0x1;
	s3 =	sadd.s32 s4, s19  }
0x9c: {  	s7 =	simm.s32 $0x0;
	s20 =	sshll.u32 s5, $0x1;
	s5 =	sadd.s32 s21, s3  }
0x9d: {  	[timem:s7], [sflag:s22] =	dma.local [hbm:s5], s20  }
0x9e: {  	_ =	swait.ge [sflag:s22], s20  }
0x9f: {  	s4 =	ssub.s32 $0x0, s20;
	[sflag:s22] =	ssyncset.done $0x0  }
0xa0: {  	[sflag:s22] =	ssyncadd.s32 s4;
	_ =	sdelay $0x1  }
0xa1: {  	s23 =	simm.s32 $0x1B8B  }
0xa2: {  	_ =	swait.ge [sflag:s23], $0x1  }
0xa3: {  	[sflag:s23] =	ssyncset.done $0x0  }
0xa4: {  	s25 =	simm.s32 $0x1B8E;
	s24 =	sld [smem:$0x3FFE];
	[sflag:s23] =	ssyncadd.s32 $0xFFFFFFFF  }
0xa5: {  	s26 =	simm.s32 $execute0_lowered;
	[smem:$0x3FD2] =	sst s25  }
0xa6: {  	s5 =	sshll.u32 s26, $0x1;
	_ =	strace $0x80000049;
	[dreg:$0x1] =	wrdreg $0xFFFFFFFF  }
0xa7: {  	s28 =	simm.s32 $_size_execute0_lowered;
	s3 =	sadd.s32 s3, s5;
	[dreg:$0x0] =	wrdreg $0x0  }
0xa8: {  	s5 =	sshll.u32 s28, $0x1;
	[dreg:$0x2] =	wrdreg s3  }
0xa9: {  	[dreg:$0x3] =	wrdreg s5  }
0xaa: {  	[dreg:$0x4] =	wrdreg $0xC0  }
0xab: {  	_ =	task [dreg:s7], $0x5FFFF  }
0xac: {  	[dreg:$0x1] =	wrdreg $0xFFFFFFFF  }
0xad: {  	[dreg:$0x0] =	wrdreg $0x60  }
0xae: {  	[dreg:$0x2] =	wrdreg s2  }
0xaf: {  	[dreg:$0x3] =	wrdreg s24  }
0xb0: {  	[dreg:$0x4] =	wrdreg $0xC4000  }
0xb1: {  	[dreg:$0x5] =	wrdreg $0x9  }
0xb2: {  	_ =	task.clear_ibuf [dreg:s7], $0x6FFFF;
	_ =	strace $0x90000049  }
0xb3: {  	s29 =	simm.s32 $0x9;
	_ =	strace $0x8000004B  }
0xb4: {  	_ =	swait.ge [sflag:s29], $0x1  }
0xb5: {  	[sflag:s29] =	ssyncadd.s32 $0xFFFFFFFF  }
0xb6: {  	_ =	strace $0x9000004B  }
0xb7: {  	_ =	sfence  }
0xb8: {  	s30 =	sld [smem:$0x0];
	_ =	sdelay $0x2  }
0xb9: {  	s31 =	sshll.u32 s1, $0xD;
	s1 =	sshrl.u32 s1, $0x2  }
0xba: {  	s3 =	sand.u32 $0x4000, s31;
	s1 =	sadd.s32 s1, s30  }
0xbb: {  	s0 =	sor.u32 s3, s0;
	s1 =	sshll.u32 s1, $0x11  }
0xbc: {  	s0 =	sor.u32 s1, s0  }
0xbd: {  	s0 =	sadd.s32 $0x8F2B, s0  }
0xbe: {  	[sflag:s0] =	ssyncadd.remote.s32 $0x1  }
0xbf: {  	_ =	sfence.sel $0xFFFF  }
0xc0: {  	[dreg:$0x0] =	wrdreg $0xFFFFFFFF;
	(pc) =	sbr.abs _section_cstart, $3  }
0xc1: {  	[dreg:$0x1] =	wrdreg $0xFFFFFFFF  }
0xc2: {  	_ =	task.clear_ibuf [dreg:s7], $0x2FFFF;
	_ =	strace $0x9FFFFFFF  }
0xc3: {  	(tm) =	ssettm $0x7FFFFFFF  }
tec
execute0_lowered:
.L_overlay_start_1:
0x0: {  	(tag) =	ssettag $0x1  }
0x1: {  	s2 =	rddreg [dreg:$0x0]  }
0x2: {  	s0 =	rddreg [dreg:$0x1]  }
0x3: {  	s3 =	rddreg [dreg:$0x2];
	s10 =	stileid.u32  }
0x4: {  	s1 =	srdreg.scid;
	s12 =	simm.s32 $0x7;
	s13 =	simm.s32 $0x80  }
0x5: {  	s14 =	simm.s32 $0x400;
	s15 =	simm.s32 $0x100;
	s16 =	simm.s32 $0x4400  }
0x6: {  	s17 =	simm.s32 $0x1;
	s18 =	simm.s32 $0x200;
	s19 =	simm.s32 $0x8400  }
0x7: {  	s20 =	simm.s32 $0x2;
	s21 =	simm.s32 $0x180;
	s4 =	smul.u32 $0xC, s10  }
0x8: {  	s22 =	simm.s32 $0x4;
	s23 =	simm.s32 $0x300;
	s5 =	smul.u32 $0x94, s10  }
0x9: {  	s28 =	simm.s32 $0x5;
	s29 =	simm.s32 $0x6;
	s24 =	smul.u32 $0x1F400, s10  }
0xa: {  	s30 =	simm.s32 $0x0;
	s1 =	sand.u32 $0x1, s1;
	s26 =	smul.u32 $0x7D000, s10  }
0xb: {  	p0 =	seq.s32 s1, $0x0;
	s7 =	smul.u32 $0x138800, s1;
	s1 =	ssub.s32 $0x2, s1  }
0xc: {  	s6 =	sadd.s32 $0x940, s4;
	s4 =	simm.s32 $0x0;
	s31 =	sshrl.u32 s1, $0x1  }
0xd: {  	s6 =	smov.u32 @p0 s5;
	[smem:$0x7FF] =	sst s4;
	s5 =	sadd.s32 s24, s7  }
0xe: {  	s1 =	ssub.s32 s1, s31;
	s7 =	sshrl.u32 s26, $0x2;
	s24 =	simm.s32 $0x3  }
0xf: {  	s26 =	simm.s32 $0x380;
	s6 =	sshll.u32 s6, $0x5;
	_ =	strace $0x8000004A  }
0x10: {  	s25 =	sshrl.u32 s5, $0x3;
	s5 =	sadd.s32 $0x2000, s0;
	s11 =	sadd.s32 s7, s3  }
0x11: {  	s8 =	smax.u32 s1, $0x1;
	s9 =	sadd.s32 s6, s0;
	s6 =	simm.s32 $0x25  }
0x12: {  	s0 =	sadd.s32 s25, s0;
	s6 =	simm.s32 @!p0 $0x3;
	p0 =	sgt.u32 s10, $0x9  }
0x13: {  	s25 =	simm.s32 $0x280;
	s7 =	sadd.s32 $0x68200, s0;
	s1 =	sshll.u32 @!p0 s10, $0x6  }
0x14: {  	s0 =	sadd.s32 $0x54200, s9;
	s11 =	sshrl.u32 @!p0 s11, $0x3;
	s10 =	sor.u32 @!p0 $0x1C07, s1  }
.LBB2_1:
0x15: {  	[spmem:s11], [sflag:s10] =	dma.local @!p0 [hbm:s5], $0x3E80  }
0x16: {  	s31 =	simm.s32 @!p0 $0x7  }
0x17: {  	_ =	swait.ge @!p0 [sflag:s31], $0x3E80  }
0x18: {  	[sflag:s31] =	ssyncset.done @!p0 $0x0  }
0x19: {  	[sflag:s31] =	ssyncadd.s32 @!p0 $0xFFFFC180  }
0x1a: {  	[bflag:$0x0] =	sbarrier.arrive $0xFFFF  }
0x1b: {  	[tilespmem:s4], [sflag:$0x7] =	stream.linear.gather [hbm4b:s0+s4], $0x400, $0x38;
	[tilespmem:$0x1FCC0] =	vst v63  }
0x1c: {  	_ =	swait.ge [sflag:s12], $0x400  }
0x1d: {  	[sflag:s12] =	ssyncset.done $0x0  }
0x1e: {  	[sflag:s12] =	ssyncadd.s32 $0xFFFFFC00  }
0x1f: {  	[tilespmem:s14], [sflag:$0x1] =	stream.indirect.gather [hbm4b:s2+s13], $0x80, s4, s13, $0xb8;
	[tilespmem:$0x1FCC0] =	vst v63  }
0x20: {  	_ = 	snop  }
0x21: {  	[tilespmem:s16], [sflag:$0x2] =	stream.indirect.gather [hbm4b:s2+s13], $0x80, s15, s13, $0xb8;
	[tilespmem:$0x1FCC0] =	vst v63  }
0x22: {  	_ =	swait.ge [sflag:s17], $0x4000  }
0x23: {  	[sflag:s17] =	ssyncset.done $0x0  }
0x24: {  	[sflag:s17] =	ssyncadd.s32 $0xFFFFC000  }
0x25: {  	[spmem:s3] =	stream.indirect.scatter.add.f32 [tilespmem:s14], [sflag:$0x4], $0x80, s13, s13, $0xb8;
	[tilespmem:$0x1FCC0] =	vst v63  }
0x26: {  	_ = 	snop  }
0x27: {  	[tilespmem:s19], [sflag:$0x3] =	stream.indirect.gather [hbm4b:s2+s13], $0x80, s18, s13, $0xb8;
	[tilespmem:$0x1FCC0] =	vst v63  }
0x28: {  	_ =	swait.ge [sflag:s20], $0x4000  }
0x29: {  	[sflag:s20] =	ssyncset.done $0x0  }
0x2a: {  	[sflag:s20] =	ssyncadd.s32 $0xFFFFC000  }
0x2b: {  	[spmem:s3] =	stream.indirect.scatter.add.f32 [tilespmem:s16], [sflag:$0x5], $0x80, s21, s13, $0xb8;
	[tilespmem:$0x1FCC0] =	vst v63  }
0x2c: {  	_ =	swait.ge [sflag:s22], $0x4000  }
0x2d: {  	[sflag:s22] =	ssyncset.done $0x0  }
0x2e: {  	[sflag:s22] =	ssyncadd.s32 $0xFFFFC000  }
0x2f: {  	[tilespmem:s14], [sflag:$0x1] =	stream.indirect.gather [hbm4b:s2+s13], $0x80, s23, s13, $0xb8;
	[tilespmem:$0x1FCC0] =	vst v63  }
0x30: {  	_ =	swait.ge [sflag:s24], $0x4000  }
0x31: {  	[sflag:s24] =	ssyncset.done $0x0  }
0x32: {  	[sflag:s24] =	ssyncadd.s32 $0xFFFFC000  }
0x33: {  	[spmem:s3] =	stream.indirect.scatter.add.f32 [tilespmem:s19], [sflag:$0x6], $0x80, s25, s13, $0xb8;
	[tilespmem:$0x1FCC0] =	vst v63  }
0x34: {  	_ =	swait.ge [sflag:s17], $0x4000  }
0x35: {  	[sflag:s17] =	ssyncset.done $0x0  }
0x36: {  	[sflag:s17] =	ssyncadd.s32 $0xFFFFC000  }
0x37: {  	[spmem:s3] =	stream.indirect.scatter.add.f32 [tilespmem:s14], [sflag:$0x4], $0x80, s26, s13, $0xb8;
	[tilespmem:$0x1FCC0] =	vst v63  }
0x38: {  	_ =	swait.ge [sflag:s28], $0x4000  }
0x39: {  	[sflag:s28] =	ssyncset.done $0x0  }
0x3a: {  	p1 =	sne.s32 s6, $0x1;
	[sflag:s28] =	ssyncadd.s32 $0xFFFFC000  }
.Ltmp0:
0x3b: {  	_ =	swait.ge [sflag:s29], $0x4000;
	(pc) =	sbr.rel @!p1 .LBB2_3-.Ltmp0, $4  }
0x3c: {  	[sflag:s29] =	ssyncset.done $0x0  }
0x3d: {  	[sflag:s29] =	ssyncadd.s32 $0xFFFFC000  }
0x3e: {  	_ =	swait.ge [sflag:s22], $0x4000  }
0x3f: {  	s1 =	sadd.s32 $0xFFFFFFFF, s6;
	s9 =	smov.u32 s0;
	[sflag:s22] =	ssyncset.done $0x0  }
.LBB2_2:
0x40: {  	p1 =	sne.s32 s1, $0x1;
	[sflag:s22] =	ssyncadd.s32 $0xFFFFC000;
	s9 =	sadd.s32 $0x80, s9  }
0x41: {  	[tilespmem:s4], [sflag:$0x7] =	stream.linear.gather [hbm4b:s9+s4], $0x400, $0x38;
	[tilespmem:$0x1FCC0] =	vst v63  }
0x42: {  	s1 =	sadd.s32 $0xFFFFFFFF, s1;
	_ =	swait.ge [sflag:s12], $0x400  }
0x43: {  	[sflag:s12] =	ssyncset.done $0x0  }
0x44: {  	[sflag:s12] =	ssyncadd.s32 $0xFFFFFC00  }
0x45: {  	[tilespmem:s14], [sflag:$0x1] =	stream.indirect.gather [hbm4b:s2+s13], $0x80, s4, s13, $0xb8;
	[tilespmem:$0x1FCC0] =	vst v63  }
0x46: {  	_ = 	snop  }
0x47: {  	[tilespmem:s16], [sflag:$0x2] =	stream.indirect.gather [hbm4b:s2+s13], $0x80, s15, s13, $0xb8;
	[tilespmem:$0x1FCC0] =	vst v63  }
0x48: {  	_ =	swait.ge [sflag:s17], $0x4000  }
0x49: {  	[sflag:s17] =	ssyncset.done $0x0  }
0x4a: {  	[sflag:s17] =	ssyncadd.s32 $0xFFFFC000  }
0x4b: {  	[spmem:s3] =	stream.indirect.scatter.add.f32 [tilespmem:s14], [sflag:$0x4], $0x80, s13, s13, $0xb8;
	[tilespmem:$0x1FCC0] =	vst v63  }
0x4c: {  	_ = 	snop  }
0x4d: {  	[tilespmem:s19], [sflag:$0x3] =	stream.indirect.gather [hbm4b:s2+s13], $0x80, s18, s13, $0xb8;
	[tilespmem:$0x1FCC0] =	vst v63  }
0x4e: {  	_ =	swait.ge [sflag:s20], $0x4000  }
0x4f: {  	[sflag:s20] =	ssyncset.done $0x0  }
0x50: {  	[sflag:s20] =	ssyncadd.s32 $0xFFFFC000  }
0x51: {  	[spmem:s3] =	stream.indirect.scatter.add.f32 [tilespmem:s16], [sflag:$0x5], $0x80, s21, s13, $0xb8;
	[tilespmem:$0x1FCC0] =	vst v63  }
0x52: {  	_ =	swait.ge [sflag:s22], $0x4000  }
0x53: {  	[sflag:s22] =	ssyncset.done $0x0  }
0x54: {  	[sflag:s22] =	ssyncadd.s32 $0xFFFFC000  }
0x55: {  	[tilespmem:s14], [sflag:$0x1] =	stream.indirect.gather [hbm4b:s2+s13], $0x80, s23, s13, $0xb8;
	[tilespmem:$0x1FCC0] =	vst v63  }
0x56: {  	_ =	swait.ge [sflag:s24], $0x4000  }
0x57: {  	[sflag:s24] =	ssyncset.done $0x0  }
0x58: {  	[sflag:s24] =	ssyncadd.s32 $0xFFFFC000  }
0x59: {  	[spmem:s3] =	stream.indirect.scatter.add.f32 [tilespmem:s19], [sflag:$0x6], $0x80, s25, s13, $0xb8;
	[tilespmem:$0x1FCC0] =	vst v63  }
0x5a: {  	_ =	swait.ge [sflag:s17], $0x4000  }
0x5b: {  	[sflag:s17] =	ssyncset.done $0x0  }
0x5c: {  	[sflag:s17] =	ssyncadd.s32 $0xFFFFC000  }
0x5d: {  	[spmem:s3] =	stream.indirect.scatter.add.f32 [tilespmem:s14], [sflag:$0x4], $0x80, s26, s13, $0xb8;
	[tilespmem:$0x1FCC0] =	vst v63  }
0x5e: {  	_ =	swait.ge [sflag:s28], $0x4000  }
0x5f: {  	[sflag:s28] =	ssyncset.done $0x0  }
0x60: {  	[sflag:s28] =	ssyncadd.s32 $0xFFFFC000  }
.Ltmp1:
0x61: {  	_ =	swait.ge [sflag:s29], $0x4000;
	(pc) =	sbr.rel @p1 .LBB2_2-.Ltmp1, $4  }
0x62: {  	[sflag:s29] =	ssyncset.done $0x0  }
0x63: {  	[sflag:s29] =	ssyncadd.s32 $0xFFFFC000  }
0x64: {  	_ =	swait.ge [sflag:s22], $0x4000  }
0x65: {  	[sflag:s22] =	ssyncset.done $0x0  }
.LBB2_3:
0x66: {  	s30 =	sadd.s32 $0x1, s30  }
0x67: {  	[sflag:s22] =	ssyncadd.s32 $0xFFFFC000;
	p1 =	sne.s32 s30, s8  }
.Ltmp2:
0x68: {  	[bflag:$0x0] =	sbarrier.arrive $0xFFFF;
	(pc) =	sbr.rel @p1 .LBB2_1-.Ltmp2, $4  }
0x69: {  	[hbm:s7], [sflag:s10] =	dma.local @!p0 [spmem:s11], $0x3E80  }
0x6a: {  	_ =	swait.ge @!p0 [sflag:s31], $0x3E80  }
0x6b: {  	[sflag:s31] =	ssyncset.done @!p0 $0x0  }
0x6c: {  	[sflag:s31] =	ssyncadd.s32 @!p0 $0xFFFFC180  }
0x6d: {  	_ =	sfence.sel $0x180000  }
0x6e: {  	[bflag:$0x0] =	sbarrier.arrive $0xFFFF  }
0x6f: {  	_ =	strace $0x9000004A  }
0x70: {  	s0 =	stileid.u32;
	[bflag:$0x2] =	sbarrier.arrive $0xFFFF  }
0x71: {  	p0 =	sne.s32 s0, $0x0;
	s0 =	rddreg [dreg:$0x3]  }
0x72: {  	s0 =	sadd.s32 @!p0 $0x100000, s0  }
0x73: {  	[sflag:s0] =	ssyncadd.tile.s32 @!p0 $0x1;
	_ =	shalt  }
.Lfunc_end2:
_tile_overlayer_lowered:
.L_overlay_start_2:
0x74: {  	(tag) =	ssettag $0x2  }
0x75: {  	s0 =	rddreg [dreg:$0x0];
	s2 =	stileid.u32  }
0x76: {  	s1 =	rddreg [dreg:$0x1];
	p0 =	sne.s32 s2, $0x0  }
0x77: {  	s3 =	rddreg [dreg:$0x2];
	[bflag:$0x3] =	sbarrier.arrive $0xFFFF;
	s2 =	simm.s32 @!p0 $0x1C07  }
0x78: {  	[timem:s3], [sflag:s2] =	dma.local @!p0 [hbm:s0], s1  }
0x79: {  	s0 =	simm.s32 @!p0 $0x7  }
0x7a: {  	_ =	swait.ge @!p0 [sflag:s0], s1  }
0x7b: {  	s1 =	ssub.s32 @!p0 $0x0, s1;
	[sflag:s0] =	ssyncset.done @!p0 $0x0  }
0x7c: {  	[sflag:s0] =	ssyncadd.s32 @!p0 s1  }
0x7d: {  	[bflag:$0x3] =	sbarrier.arrive $0xFFFF  }
0x7e: {  	_ =	shalt  }

// kernel: kernel.7.cloned.1.call-start
scs
__scs_entry_jumppad:
0x0: {  	(pc) =	sbr.rel $0x88, $3  }
0x1: {  	(tag) =	ssettag $0x0;
	lr =	simm.s32 $0x1  }
0x2: {  	[smem:$0x3F9B] =	sst lr;
	_ =	strace $0xD0000000  }
0x3: {  	_ = 	snop  }
0x4: {  	_ = 	snop  }
0x5: {  	_ = 	snop  }
0x6: {  	_ = 	snop  }
0x7: {  	_ = 	snop  }
__scs_overlays_trampoline_lowered:
0x8: {  	[smem:$0x3FAA] =	sst s0  }
0x9: {  	[smem:$0x3FAB] =	sst s1  }
0xa: {  	[smem:$0x3FAC] =	sst s2  }
0xb: {  	[smem:$0x3FAD] =	sst s3  }
0xc: {  	[smem:$0x3FAE] =	sst s4  }
0xd: {  	[smem:$0x3FAF] =	sst s5  }
0xe: {  	[smem:$0x3FB0] =	sst s6  }
0xf: {  	[smem:$0x3FB1] =	sst s7  }
0x10: {  	[smem:$0x3FB2] =	sst s8  }
0x11: {  	[smem:$0x3FB3] =	sst s9;
	s0 =	simm.s32 @!p0 $0x0  }
0x12: {  	s1 =	sld [smem:$0x3F99];
	s0 =	simm.s32 @p0 $0x1  }
0x13: {  	[smem:$0x3FB4] =	sst s0;
	s0 =	simm.s32 @!p1 $0x0  }
0x14: {  	s2 =	sld [smem:$0x3F98];
	s0 =	simm.s32 @p1 $0x1  }
0x15: {  	[smem:$0x3FB5] =	sst s0;
	s0 =	simm.s32 @!p2 $0x0  }
0x16: {  	s3 =	sld [smem:$0x3FDB];
	s0 =	simm.s32 @p2 $0x1  }
0x17: {  	s4 =	simm.s32 $0x1BF5;
	[smem:$0x3FB7] =	sst s0  }
0x18: {  	s0 =	sld [smem:$0x3F9A];
	_ =	swait.ge [sflag:s4], $0x0  }
0x19: {  	s7 =	sld [smem:$0x3F9B]  }
0x1a: {  	s8 =	sadd.s32 $0xFFFFE003, lr  }
0x1b: {  	s9 =	sadd.s32 $0xFFFFFEF7, lr;
	s5 =	simm.s32 $0xFFFFFFFF;
	p2 =	slt.u32 s8, $0xFFFFF086  }
0x1c: {  	p1 =	slt.u32 s9, $0xF7A;
	s5 =	simm.s32 @!p2 $0x0  }
0x1d: {  	s5 =	simm.s32 @p1 $0x1;
	p0 =	seq.s32 s7, s2  }
0x1e: {  	s7 =	smul.u32 @!p0 $0xF7A, s2;
	p2 =	seq.s32 @!p0 s5, $0x0  }
0x1f: {  	s9 =	smul.u32 $0xF7A, s1;
	s8 =	simm.s32 @!p0 $0x1BF5;
	p2 =	por !p2, p0  }
0x20: {  	[sflag:s8] =	ssyncset.s32 @!p0 $0xFFFFF086;
	s6 =	sadd.s32 @!p0 s3, s7;
	s7 =	simm.s32 @!p0 $0x108  }
0x21: {  	s3 =	sadd.s32 s3, s9;
	s6 =	sadd.s32 @!p0 $0x88, s6;
	s7 =	simm.s32 @p2 $0x1082  }
0x22: {  	[simem:s7], [sflag:s8] =	dma.local @!p0 [hbm:s6], $0xF7A  }
0x23: {  	s9 =	sor.u32 $0xD0000000, s2;
	s6 =	simm.s32 $0x108;
	_ =	swait.ge @!p0 [sflag:s8], $0x0  }
0x24: {  	s3 =	sadd.s32 $0x88, s3;
	s6 =	simm.s32 @!p1 $0x1082;
	[sflag:s4] =	ssyncset.s32 $0xFFFFF086  }
0x25: {  	[simem:s6], [sflag:s4] =	dma.local [hbm:s3], $0xF7A  }
0x26: {  	[smem:$0x3F9B] =	sst s1;
	(tag) =	ssettag s2;
	_ =	strace s9  }
0x27: {  	s1 =	sld [smem:$0x3FAB]  }
0x28: {  	s2 =	sld [smem:$0x3FAC]  }
0x29: {  	s4 =	sld [smem:$0x3FAE]  }
0x2a: {  	p0 =	seq.s32 s5, $0x0;
	s5 =	sld [smem:$0x3FAF]  }
0x2b: {  	s6 =	sld [smem:$0x3FB0]  }
0x2c: {  	s7 =	sld [smem:$0x3FB1]  }
0x2d: {  	s3 =	simm.s32 $0x108;
	s8 =	sld [smem:$0x3FB2]  }
0x2e: {  	s3 =	simm.s32 @!p0 $0x1082;
	s9 =	sld [smem:$0x3FB3]  }
0x2f: {  	lr =	sadd.s32 s0, s3;
	s0 =	sld [smem:$0x3FAA]  }
0x30: {  	s3 =	sld [smem:$0x3FAD]  }
0x31: {  	[smem:$0x3FB6] =	sst s10  }
0x32: {  	s10 =	sld [smem:$0x3FB4];
	_ =	sdelay $0x3  }
0x33: {  	p0 =	seq.s32 s10, $0x1;
	s10 =	sld [smem:$0x3FB6];
	_ =	sdelay $0x3  }
0x34: {  	[smem:$0x3FB6] =	sst s10  }
0x35: {  	s10 =	sld [smem:$0x3FB5];
	_ =	sdelay $0x3  }
0x36: {  	p1 =	seq.s32 s10, $0x1;
	s10 =	sld [smem:$0x3FB6];
	_ =	sdelay $0x3  }
0x37: {  	[smem:$0x3FB6] =	sst s10  }
0x38: {  	s10 =	sld [smem:$0x3FB7]  }
0x39: {  	_ = 	snop;
	(pc) =	sbr.ind lr, $3  }
0x3a: {  	_ = 	snop  }
0x3b: {  	_ = 	snop  }
0x3c: {  	p2 =	seq.s32 s10, $0x1;
	s10 =	sld [smem:$0x3FB6]  }
0x3d: {  	_ =	shalt  }
0x3e: {  	_ =	shalt  }
0x3f: {  	_ =	shalt  }
0x40: {  	_ =	shalt  }
0x41: {  	_ =	shalt  }
0x42: {  	_ =	shalt  }
0x43: {  	_ =	shalt  }
0x44: {  	_ =	shalt  }
0x45: {  	_ =	shalt  }
0x46: {  	_ =	shalt  }
0x47: {  	_ =	shalt  }
0x48: {  	_ =	shalt  }
0x49: {  	_ =	shalt  }
0x4a: {  	_ =	shalt  }
0x4b: {  	_ =	shalt  }
0x4c: {  	_ =	shalt  }
0x4d: {  	_ =	shalt  }
0x4e: {  	_ =	shalt  }
0x4f: {  	_ =	shalt  }
0x50: {  	_ =	shalt  }
0x51: {  	_ =	shalt  }
0x52: {  	_ =	shalt  }
0x53: {  	_ =	shalt  }
0x54: {  	_ =	shalt  }
0x55: {  	_ =	shalt  }
0x56: {  	_ =	shalt  }
0x57: {  	_ =	shalt  }
0x58: {  	_ =	shalt  }
0x59: {  	_ =	shalt  }
0x5a: {  	_ =	shalt  }
0x5b: {  	_ =	shalt  }
0x5c: {  	_ =	shalt  }
0x5d: {  	_ =	shalt  }
0x5e: {  	_ =	shalt  }
0x5f: {  	_ =	shalt  }
0x60: {  	_ =	shalt  }
0x61: {  	_ =	shalt  }
0x62: {  	_ =	shalt  }
0x63: {  	_ =	shalt  }
0x64: {  	_ =	shalt  }
0x65: {  	_ =	shalt  }
0x66: {  	_ =	shalt  }
0x67: {  	_ =	shalt  }
0x68: {  	_ =	shalt  }
0x69: {  	_ =	shalt  }
0x6a: {  	_ =	shalt  }
0x6b: {  	_ =	shalt  }
0x6c: {  	_ =	shalt  }
0x6d: {  	_ =	shalt  }
0x6e: {  	_ =	shalt  }
0x6f: {  	_ =	shalt  }
0x70: {  	_ =	shalt  }
0x71: {  	_ =	shalt  }
0x72: {  	_ =	shalt  }
0x73: {  	_ =	shalt  }
0x74: {  	_ =	shalt  }
0x75: {  	_ =	shalt  }
0x76: {  	_ =	shalt  }
0x77: {  	_ =	shalt  }
0x78: {  	_ =	shalt  }
0x79: {  	_ =	shalt  }
0x7a: {  	_ =	shalt  }
0x7b: {  	_ =	shalt  }
0x7c: {  	_ =	shalt  }
0x7d: {  	_ =	shalt  }
0x7e: {  	_ =	shalt  }
0x7f: {  	_ =	shalt  }
0x80: {  	_ =	shalt  }
0x81: {  	_ =	shalt  }
0x82: {  	_ =	shalt  }
0x83: {  	_ =	shalt  }
0x84: {  	_ =	shalt  }
0x85: {  	_ =	shalt  }
0x86: {  	_ =	shalt  }
0x87: {  	_ =	shalt  }
.Lfunc_end0:
.L_simem_size_0:
called_computation_lowered:
.L_overlay_start_0:
0x88: {  	s2 =	sld [smem:$0x3FD9]  }
0x89: {  	s3 =	sld [smem:$0x3FFE];
	_ =	sdelay $0x1  }
0x8a: {  	s1 =	srdreg.scid  }
0x8b: {  	s0 =	sand.u32 $0x1, s1  }
0x8c: {  	s17 =	sshll.u32 s0, $0xA;
	s2 =	sadd.s32 s3, s2  }
0x8d: {  	s2 =	sadd.s32 s2, s17  }
0x8e: {  	[smem:$0x3FC2] =	sst s2  }
0x8f: {  	_ = 	snop  }
0x90: {  	s2 =	sld [smem:$0x3FD0];
	(tm) =	ssettm $0x1  }
0x91: {  	s18 =	sld [smem:$0x3FFB];
	_ =	sdelay $0x3  }
0x92: {  	_ =	strace s18  }
0x93: {  	s3 =	sld [smem:$0x3FFC];
	_ =	sdelay $0x3  }
0x94: {  	_ =	strace s3  }
0x95: {  	s3 =	sld [smem:$0x3FFD];
	_ =	sdelay $0x3  }
0x96: {  	_ =	strace s3  }
0x97: {  	_ =	strace $0x8FFFFFFF  }
0x98: {  	s19 =	sld [smem:$0x3FDB];
	_ =	sdelay $0x1  }
0x99: {  	s4 =	simm.s32 $_scs_section_size  }
0x9a: {  	s5 =	simm.s32 $_size__tile_overlayer_lowered;
	s6 =	simm.s32 $_tile_overlayer_lowered  }
0x9b: {  	s22 =	simm.s32 $0x1BFF;
	s21 =	sshll.u32 s6, $0x1;
	s3 =	sadd.s32 s4, s19  }
0x9c: {  	s7 =	simm.s32 $0x0;
	s20 =	sshll.u32 s5, $0x1;
	s5 =	sadd.s32 s21, s3  }
0x9d: {  	[timem:s7], [sflag:s22] =	dma.local [hbm:s5], s20  }
0x9e: {  	_ =	swait.ge [sflag:s22], s20  }
0x9f: {  	s4 =	ssub.s32 $0x0, s20;
	[sflag:s22] =	ssyncset.done $0x0  }
0xa0: {  	[sflag:s22] =	ssyncadd.s32 s4;
	_ =	sdelay $0x1  }
0xa1: {  	s23 =	simm.s32 $0x1B8B  }
0xa2: {  	_ =	swait.ge [sflag:s23], $0x1  }
0xa3: {  	[sflag:s23] =	ssyncset.done $0x0  }
0xa4: {  	s25 =	simm.s32 $0x1B8E;
	s24 =	sld [smem:$0x3FFE];
	[sflag:s23] =	ssyncadd.s32 $0xFFFFFFFF  }
0xa5: {  	s26 =	simm.s32 $execute0_lowered;
	[smem:$0x3FD2] =	sst s25  }
0xa6: {  	s5 =	sshll.u32 s26, $0x1;
	_ =	strace $0x80000046;
	[dreg:$0x1] =	wrdreg $0xFFFFFFFF  }
0xa7: {  	s28 =	simm.s32 $_size_execute0_lowered;
	s3 =	sadd.s32 s3, s5;
	[dreg:$0x0] =	wrdreg $0x0  }
0xa8: {  	s5 =	sshll.u32 s28, $0x1;
	[dreg:$0x2] =	wrdreg s3  }
0xa9: {  	[dreg:$0x3] =	wrdreg s5  }
0xaa: {  	[dreg:$0x4] =	wrdreg $0xC0  }
0xab: {  	_ =	task [dreg:s7], $0x5FFFF  }
0xac: {  	[dreg:$0x1] =	wrdreg $0xFFFFFFFF  }
0xad: {  	[dreg:$0x0] =	wrdreg $0x60  }
0xae: {  	[dreg:$0x2] =	wrdreg s2  }
0xaf: {  	[dreg:$0x3] =	wrdreg s24  }
0xb0: {  	[dreg:$0x4] =	wrdreg $0x68000  }
0xb1: {  	[dreg:$0x5] =	wrdreg $0x9  }
0xb2: {  	_ =	task.clear_ibuf [dreg:s7], $0x6FFFF;
	_ =	strace $0x90000046  }
0xb3: {  	s29 =	simm.s32 $0x9;
	_ =	strace $0x80000048  }
0xb4: {  	_ =	swait.ge [sflag:s29], $0x1  }
0xb5: {  	[sflag:s29] =	ssyncadd.s32 $0xFFFFFFFF  }
0xb6: {  	_ =	strace $0x90000048  }
0xb7: {  	_ =	sfence  }
0xb8: {  	s30 =	sld [smem:$0x0];
	_ =	sdelay $0x2  }
0xb9: {  	s31 =	sshll.u32 s1, $0xD;
	s1 =	sshrl.u32 s1, $0x2  }
0xba: {  	s3 =	sand.u32 $0x4000, s31;
	s1 =	sadd.s32 s1, s30  }
0xbb: {  	s0 =	sor.u32 s3, s0;
	s1 =	sshll.u32 s1, $0x11  }
0xbc: {  	s0 =	sor.u32 s1, s0  }
0xbd: {  	s0 =	sadd.s32 $0x8F2B, s0  }
0xbe: {  	[sflag:s0] =	ssyncadd.remote.s32 $0x1  }
0xbf: {  	_ =	sfence.sel $0xFFFF  }
0xc0: {  	[dreg:$0x0] =	wrdreg $0xFFFFFFFF;
	(pc) =	sbr.abs _section_cstart, $3  }
0xc1: {  	[dreg:$0x1] =	wrdreg $0xFFFFFFFF  }
0xc2: {  	_ =	task.clear_ibuf [dreg:s7], $0x2FFFF;
	_ =	strace $0x9FFFFFFF  }
0xc3: {  	(tm) =	ssettm $0x7FFFFFFF  }
tec
execute0_lowered:
.L_overlay_start_1:
0x0: {  	(tag) =	ssettag $0x1  }
0x1: {  	s6 =	rddreg [dreg:$0x0]  }
0x2: {  	s7 =	rddreg [dreg:$0x1]  }
0x3: {  	s1 =	rddreg [dreg:$0x2];
	s2 =	srdreg.scid  }
0x4: {  	s0 =	rddreg [dreg:$0x3];
	s3 =	simm.s32 $0x0;
	s13 =	simm.s32 $0x80  }
0x5: {  	s14 =	simm.s32 $0x0;
	s8 =	sand.u32 $0x1, s2;
	s2 =	stileid.u32  }
0x6: {  	[smem:$0x7FF] =	sst s3;
	s4 =	sadd.s32 $0x2000, s7;
	s9 =	smul.u32 $0x138800, s8  }
0x7: {  	s5 =	sadd.s32 $0x1800, s7;
	s10 =	smul.u32 $0x1F400, s2;
	_ =	strace $0x80000047  }
0x8: {  	s30 =	sshll.u32 s8, $0x4;
	s8 =	ssub.s32 $0x2, s8;
	s11 =	smul.u32 $0x7D000, s2  }
0x9: {  	p0 =	sgt.u32 s2, $0x9;
	s12 =	sshrl.u32 s8, $0x1;
	s9 =	sadd.s32 s10, s9  }
0xa: {  	s10 =	sor.u32 s2, s30;
	s8 =	ssub.s32 s8, s12;
	s31 =	sshrl.u32 s11, $0x2  }
0xb: {  	s12 =	simm.s32 $0x1;
	s9 =	sshrl.u32 s9, $0x3;
	s10 =	smul.u32 $0x500, s10  }
0xc: {  	s11 =	sadd.s32 s31, s1;
	s8 =	smax.u32 s8, $0x1;
	s7 =	sadd.s32 s9, s7  }
0xd: {  	s9 =	sshll.u32 @!p0 s2, $0x6;
	s6 =	sadd.s32 s6, s10;
	s7 =	sadd.s32 $0x6000, s7  }
0xe: {  	s9 =	sor.u32 @!p0 $0x1C01, s9;
	s10 =	sshrl.u32 @!p0 s11, $0x3;
	s11 =	simm.s32 $0x2800  }
.LBB2_1:
0xf: {  	[spmem:s10], [sflag:s9] =	dma.local @!p0 [hbm:s4], $0x3E80  }
0x10: {  	s15 =	simm.s32 @!p0 $0x1  }
0x11: {  	_ =	swait.ge @!p0 [sflag:s15], $0x3E80  }
0x12: {  	[sflag:s15] =	ssyncset.done @!p0 $0x0  }
0x13: {  	[sflag:s15] =	ssyncadd.s32 @!p0 $0xFFFFC180  }
0x14: {  	[tilespmem:s11], [sflag:$0x1] =	stream.linear.gather [hbm4b:s5+s3], $0x4000, $0x38;
	[tilespmem:$0x1A0C0] =	vst v63  }
0x15: {  	_ =	swait.ge [sflag:s12], $0x4000  }
0x16: {  	[sflag:s12] =	ssyncset.done $0x0  }
0x17: {  	[sflag:s12] =	ssyncadd.s32 $0xFFFFC000  }
0x18: {  	[tilespmem:s3], [sflag:$0x1] =	stream.linear.gather [hbm4b:s6+s3], $0x2800, $0x38;
	[tilespmem:$0x1A0C0] =	vst v63  }
0x19: {  	_ =	swait.ge [sflag:s12], $0x2800  }
0x1a: {  	[sflag:s12] =	ssyncset.done $0x0  }
0x1b: {  	[sflag:s12] =	ssyncadd.s32 $0xFFFFD800  }
0x1c: {  	s31 =	simm.s32 $0x0;
	[bflag:$0x0] =	sbarrier.arrive $0xFFFF  }
0x1d: {  	[spmem:s1] =	stream.indirect.scatter.add.f32 [tilespmem:s11], [sflag:$0x1], $0x80, s31, s13, $0xb8;
	[tilespmem:$0x1A0C0] =	vst v63  }
0x1e: {  	_ =	swait.ge [sflag:s12], $0x4000  }
0x1f: {  	s15 =	simm.s32 $0x200;
	[sflag:s12] =	ssyncset.done $0x0  }
.LBB2_2:
0x20: {  	s16 =	sshra.s32 s15, $0x2;
	[sflag:s12] =	ssyncadd.s32 $0xFFFFC000;
	p1 =	sne.s32 s15, $0x9E00  }
0x21: {  	[spmem:s1] =	stream.indirect.scatter.add.f32 [tilespmem:s11], [sflag:$0x1], $0x80, s16, s13, $0xb8;
	[tilespmem:$0x1A0C0] =	vst v63  }
.Ltmp0:
0x22: {  	_ = 	snop;
	(pc) =	sbr.rel @p1 .LBB2_2-.Ltmp0, $4  }
0x23: {  	_ = 	snop  }
0x24: {  	s15 =	sadd.s32 $0x200, s15  }
0x25: {  	_ =	swait.ge [sflag:s12], $0x4000  }
0x26: {  	[sflag:s12] =	ssyncset.done $0x0  }
0x27: {  	s14 =	sadd.s32 $0x1, s14  }
0x28: {  	[sflag:s12] =	ssyncadd.s32 $0xFFFFC000;
	p1 =	sne.s32 s14, s8  }
.Ltmp1:
0x29: {  	s15 =	simm.s32 @!p0 $0x1;
	[bflag:$0x0] =	sbarrier.arrive $0xFFFF;
	(pc) =	sbr.rel @p1 .LBB2_1-.Ltmp1, $4  }
0x2a: {  	[hbm:s7], [sflag:s9] =	dma.local @!p0 [spmem:s10], $0x3E80  }
0x2b: {  	_ =	swait.ge @!p0 [sflag:s15], $0x3E80  }
0x2c: {  	[sflag:s15] =	ssyncset.done @!p0 $0x0  }
0x2d: {  	[sflag:s15] =	ssyncadd.s32 @!p0 $0xFFFFC180  }
0x2e: {  	_ =	sfence.sel $0x180000  }
0x2f: {  	[bflag:$0x0] =	sbarrier.arrive $0xFFFF  }
0x30: {  	p0 =	sne.s32 s2, $0x0;
	_ =	strace $0x90000047  }
0x31: {  	s0 =	sadd.s32 @!p0 $0x100000, s0;
	[bflag:$0x2] =	sbarrier.arrive $0xFFFF  }
0x32: {  	[sflag:s0] =	ssyncadd.tile.s32 @!p0 $0x1;
	_ =	shalt  }
.Lfunc_end2:
_tile_overlayer_lowered:
.L_overlay_start_2:
0x33: {  	(tag) =	ssettag $0x2  }
0x34: {  	s0 =	rddreg [dreg:$0x0];
	s2 =	stileid.u32  }
0x35: {  	s1 =	rddreg [dreg:$0x1];
	p0 =	sne.s32 s2, $0x0  }
0x36: {  	s3 =	rddreg [dreg:$0x2];
	[bflag:$0x3] =	sbarrier.arrive $0xFFFF;
	s2 =	simm.s32 @!p0 $0x1C01  }
0x37: {  	[timem:s3], [sflag:s2] =	dma.local @!p0 [hbm:s0], s1  }
0x38: {  	s0 =	simm.s32 @!p0 $0x1  }
0x39: {  	_ =	swait.ge @!p0 [sflag:s0], s1  }
0x3a: {  	s1 =	ssub.s32 @!p0 $0x0, s1;
	[sflag:s0] =	ssyncset.done @!p0 $0x0  }
0x3b: {  	[sflag:s0] =	ssyncadd.s32 @!p0 s1  }
0x3c: {  	[bflag:$0x3] =	sbarrier.arrive $0xFFFF  }
0x3d: {  	_ =	shalt  }

</sc_bundles>
